<compile_context>
chip_gen: v7x
topology: tpu7x:2x2x1
jax: 0.10.2.dev20260603
libtpu: 0.0.44.dev20260713+nightly
codegen_flags: <defaults>
</compile_context>

<pallas_src>
import dataclasses
import functools

import jax
import jax.numpy as jnp
from jax import lax
from jax.experimental import pallas as pl
from jax.experimental.pallas import tpu as pltpu
from jax.experimental.pallas import tpu_sc as plsc

NC = 2
NS = 16
NW = NC * NS
L = 16
K = 128

_mesh = plsc.VectorSubcoreMesh(core_axis_name="c", subcore_axis_name="s")
_sc_params = dataclasses.replace(pltpu.CompilerParams(),
                                 needs_layout_passes=False)


def _deg_call(n_pad, epw, row_flat, zdeg):

    @functools.partial(
        pl.kernel,
        out_type=jax.ShapeDtypeStruct((NW, n_pad), jnp.float32),
        mesh=_mesh,
        scratch_types=[
            pltpu.VMEM((epw,), jnp.int32),
            pltpu.VMEM((n_pad,), jnp.float32),
        ],
        compiler_params=_sc_params,
    )
    def deg_kernel(row_hbm, z_hbm, out_hbm, idx_v, deg_v):
        cid = lax.axis_index("c")
        sid = lax.axis_index("s")
        wid = sid * NC + cid
        pltpu.sync_copy(z_hbm, deg_v)
        pltpu.sync_copy(row_hbm.at[wid], idx_v)
        ones = jnp.ones((L,), jnp.float32)

        @pl.loop(0, epw // L)
        def _(v):
            iv = idx_v[pl.ds(v * L, L)]
            plsc.addupdate_scatter(deg_v, [iv], ones)

        pltpu.sync_copy(deg_v, out_hbm.at[wid])

    return deg_kernel(row_flat, zdeg)


def _prop_call(n_pad, chunks, d, h2, row_r, col_r, zmain):
    rows_per_sub = n_pad // NS

    nph = 4
    pch = chunks // nph

    @functools.partial(
        pl.kernel,
        out_type=jax.ShapeDtypeStruct((n_pad, d), jnp.float32),
        mesh=_mesh,
        scratch_types=[
            pltpu.VMEM((pch, K), jnp.int32),
            pltpu.VMEM((pch, K), jnp.int32),
            pltpu.VMEM((K, d), jnp.float32),
            pltpu.VMEM((K, d), jnp.float32),
            pltpu.VMEM_SHARED((n_pad, d), jnp.float32),
            pltpu.SemaphoreType.DMA,
            pltpu.SemaphoreType.DMA,
        ],
    )
    def prop_kernel(h2_hbm, row_hbm, col_hbm, z_hbm, out_hbm,
                    ri_v, ci_v, buf0, buf1, acc, sem0, sem1):
        cid = lax.axis_index("c")
        sid = lax.axis_index("s")

        @pl.when(cid == 0)
        def _():
            pltpu.sync_copy(z_hbm.at[pl.ds(sid * rows_per_sub, rows_per_sub)],
                            acc.at[pl.ds(sid * rows_per_sub, rows_per_sub)])

        plsc.subcore_barrier()

        @pl.loop(0, jnp.where(cid == 0, nph, 0))
        def _(ph):
            off = pl.multiple_of(ph * pch, 8)
            pltpu.sync_copy(row_hbm.at[sid, pl.ds(off, pch)], ri_v)
            pltpu.sync_copy(col_hbm.at[sid, pl.ds(off, pch)], ci_v)

            pltpu.make_async_copy(h2_hbm.at[ri_v.at[0]], buf0, sem0).start()

            @pl.loop(0, pch // 2)
            def _(jj):
                j0 = jj * 2
                pltpu.make_async_copy(h2_hbm.at[ri_v.at[j0]], buf0, sem0).wait()
                pltpu.make_async_copy(h2_hbm.at[ri_v.at[j0 + 1]], buf1,
                                      sem1).start()
                pltpu.sync_copy(buf0, acc.at[ci_v.at[j0]], add=True)
                pltpu.make_async_copy(h2_hbm.at[ri_v.at[j0 + 1]], buf1,
                                      sem1).wait()

                @pl.when(jj + 1 < pch // 2)
                def _():
                    pltpu.make_async_copy(h2_hbm.at[ri_v.at[j0 + 2]], buf0,
                                          sem0).start()

                pltpu.sync_copy(buf1, acc.at[ci_v.at[j0 + 1]], add=True)

        plsc.subcore_barrier()

        @pl.when(cid == 0)
        def _():
            pltpu.sync_copy(acc.at[pl.ds(sid * rows_per_sub, rows_per_sub)],
                            out_hbm.at[pl.ds(sid * rows_per_sub, rows_per_sub)])

    return prop_kernel(h2, row_r, col_r, zmain)


def _matmul_call(x, w, degt, block_rows):
    n, d = x.shape
    u = w.shape[1]

    def body(x_ref, w_ref, dt_ref, h2_ref):
        deg = jnp.sum(dt_ref[...], axis=1, keepdims=True) + 1.0
        h = jnp.dot(x_ref[...], w_ref[...], preferred_element_type=jnp.float32)
        h2_ref[...] = h * lax.rsqrt(deg)

    return pl.pallas_call(
        body,
        grid=(n // block_rows,),
        in_specs=[
            pl.BlockSpec((block_rows, d), lambda i: (i, 0)),
            pl.BlockSpec((d, u), lambda i: (0, 0)),
            pl.BlockSpec((block_rows, NW), lambda i: (i, 0)),
        ],
        out_specs=pl.BlockSpec((block_rows, u), lambda i: (i, 0)),
        out_shape=jax.ShapeDtypeStruct((n, u), jnp.float32),
    )(x, w, degt)


def _combine_call(p0, h2, degt, bias2d, block_rows):
    n, u = h2.shape

    def body(p0_ref, h2_ref, dt_ref, b_ref, o_ref):
        deg = jnp.sum(dt_ref[...], axis=1, keepdims=True) + 1.0
        dinv = lax.rsqrt(deg)
        o_ref[...] = (p0_ref[...] + h2_ref[...]) * dinv + b_ref[...]

    return pl.pallas_call(
        body,
        grid=(n // block_rows,),
        in_specs=[
            pl.BlockSpec((block_rows, u), lambda i: (i, 0)),
            pl.BlockSpec((block_rows, u), lambda i: (i, 0)),
            pl.BlockSpec((block_rows, NW), lambda i: (i, 0)),
            pl.BlockSpec((1, u), lambda i: (0, 0)),
        ],
        out_specs=pl.BlockSpec((block_rows, u), lambda i: (i, 0)),
        out_shape=jax.ShapeDtypeStruct((n, u), jnp.float32),
    )(p0, h2, degt, bias2d)


def kernel(x, edge_index, kernel, bias):
    n, d = x.shape
    u = kernel.shape[1]
    e = edge_index.shape[1]

    chunks = -(-e // (NS * K))
    chunks = -(-chunks // 32) * 32
    epw = chunks * K
    pad = NS * epw - e
    n_pad = -(-(n + 1) // (NS * 8)) * (NS * 8)

    row = edge_index[0]
    col = edge_index[1]
    row_deg = jnp.concatenate(
        [row, jnp.full((pad,), n, jnp.int32)]).reshape(NW, epw // 2)
    row_main = jnp.concatenate(
        [row, jnp.zeros((pad,), jnp.int32)]).reshape(NS, chunks, K)
    col_main = jnp.concatenate(
        [col, jnp.full((pad,), n, jnp.int32)]).reshape(NS, chunks, K)

    zdeg = jnp.zeros((n_pad,), jnp.float32)
    zmain = jnp.zeros((n_pad, d), jnp.float32)

    degp = _deg_call(n_pad, epw // 2, row_deg, zdeg)
    degt = degp.T[:n]

    h2 = _matmul_call(x, kernel, degt, block_rows=1000)

    p = _prop_call(n_pad, chunks, d, h2, row_main, col_main, zmain)

    out = _combine_call(p[:n], h2, degt,
                        bias.reshape(1, u), block_rows=1000)
    return out

# --- scband reference (transcript-rebuilt; emitter-appended) ---
"""Pipeline reference for scband-gcn-68736656606003 (READ-ONLY COPY).

The authoritative reference and input builder live on the scoring server;
editing this copy changes nothing except your own understanding.
"""

import jax, jax.numpy as jnp
import numpy as np

N = 10000
E = 320000
D = 128
U = 128


def setup_inputs(seed: int = 0) -> dict:
    key = jax.random.key(seed)
    k1, k2, k3 = jax.random.split(key, 3)
    x = jax.random.normal(k1, (N, D), dtype=jnp.float32)
    edge_index = jax.random.randint(k2, (2, E), 0, N, dtype=jnp.int32)
    # glorot-uniform-like kernel and zero bias, per build()
    limit = float(np.sqrt(6.0 / (D + U)))
    kernel = jax.random.uniform(k3, (D, U), dtype=jnp.float32, minval=-limit, maxval=limit)
    bias = jnp.zeros((U,), dtype=jnp.float32)
    return {"x": x, "edge_index": edge_index, "kernel": kernel, "bias": bias}


def reference(x, edge_index, kernel, bias):
    n = x.shape[0]
    row = edge_index[0]
    col = edge_index[1]
    w = jnp.ones((edge_index.shape[1],), dtype=x.dtype)
    # renorm trick: add self loops with fill weight 1.0 (improved=False)
    sl = jnp.arange(n, dtype=row.dtype)
    row = jnp.concatenate([row, sl])
    col = jnp.concatenate([col, sl])
    w = jnp.concatenate([w, jnp.ones((n,), dtype=x.dtype)])
    # symmetric normalization D^{-1/2} A' D^{-1/2}
    deg = jax.ops.segment_sum(w, row, num_segments=n)
    d_inv_sqrt = jnp.where(deg > 0, deg ** -0.5, 0.0)
    w_norm = d_inv_sqrt[row] * w * d_inv_sqrt[col]
    # linear transform then propagate
    h = x @ kernel
    msg = h[row] * w_norm[:, None]
    out = jax.ops.segment_sum(msg, col, num_segments=n)
    out = out + bias
    # activation=None -> identity
    return out

if __name__ == "__main__":
    import jax
    _d = setup_inputs()
    print(jax.jit(kernel)(*tuple(_d.values())))

</pallas_src>

<mosaic_0001>
#map = affine_map<(d0, d1) -> (0, 0)>
#map1 = affine_map<(d0, d1) -> (0, 0, 0)>
module attributes {stable_mosaic.version = 14 : i64} {
  func.func @prop_kernel(%arg0: i32, %arg1: i32, %arg2: memref<10000x128xf32, #tpu.memory_space<hbm>>, %arg3: memref<16x160x128xi32, #tpu.memory_space<hbm>>, %arg4: memref<16x160x128xi32, #tpu.memory_space<hbm>>, %arg5: memref<10112x128xf32, #tpu.memory_space<hbm>>, %arg6: memref<10112x128xf32, #tpu.memory_space<hbm>>, %arg7: memref<40x128xi32, #tpu.memory_space<vmem>>, %arg8: memref<40x128xi32, #tpu.memory_space<vmem>>, %arg9: memref<128x128xf32, #tpu.memory_space<vmem>>, %arg10: memref<128x128xf32, #tpu.memory_space<vmem>>, %arg11: memref<10112x128xf32, #tpu.memory_space<vmem_shared>>, %arg12: memref<!tpu.dma_semaphore, #tpu.memory_space<semaphore_mem>>, %arg13: memref<!tpu.dma_semaphore, #tpu.memory_space<semaphore_mem>>) attributes {dimension_semantics = [#tpu.dimension_semantics<core_parallel>, #tpu.dimension_semantics<subcore_parallel>], iteration_bounds = array<i64: 2, 16>, scalar_prefetch = 0 : i64, scratch_operands = 7 : i64, tpu.core_type = #tpu.core_type<sc_vector_subcore>, window_params = [{transform_indices = #map}, {transform_indices = #map1}, {transform_indices = #map1}, {transform_indices = #map}, {transform_indices = #map}]} {
    %eq3A = arith.constant 0 : i32
    %eq3A_0 = arith.cmpi eq, %arg0, %eq3A : i32
    %convert_element_type3A = arith.extui %eq3A_0 : i1 to i32
    %cond3A = arith.constant 0 : i32
    %cond3A_1 = arith.cmpi ne, %convert_element_type3A, %cond3A : i32
    scf.if %cond3A_1 {
      %mul3A = arith.constant 632 : i32
      %mul3A_26 = arith.muli %arg1, %mul3A : i32
      %mul3A_27 = arith.constant 632 : i32
      %mul3A_28 = arith.muli %arg1, %mul3A_27 : i32
      "tpu.region"() ({
        %run_scoped3A = tpu.sem_alloc : memref<!tpu.dma_semaphore, #tpu.memory_space<semaphore_mem>>
        %dma_start3A = arith.constant 0 : i32
        %dma_start3A_29 = tpu.memref_slice %arg11[%mul3A_28, %dma_start3A] : memref<10112x128xf32, #tpu.memory_space<vmem_shared>> -> memref<632x128xf32, #tpu.memory_space<vmem_shared>>
        %dma_start3A_30 = arith.constant 0 : i32
        %dma_start3A_31 = tpu.memref_slice %arg5[%mul3A_26, %dma_start3A_30] : memref<10112x128xf32, #tpu.memory_space<hbm>> -> memref<632x128xf32, #tpu.memory_space<hbm>>
        tpu.enqueue_dma source(%dma_start3A_31 : memref<632x128xf32, #tpu.memory_space<hbm>>) target(%dma_start3A_29 : memref<632x128xf32, #tpu.memory_space<vmem_shared>>) target_semaphore(%run_scoped3A : memref<!tpu.dma_semaphore, #tpu.memory_space<semaphore_mem>>)
        %dma_wait3A = arith.constant 0 : i32
        %dma_wait3A_32 = tpu.memref_slice %arg11[%mul3A_28, %dma_wait3A] : memref<10112x128xf32, #tpu.memory_space<vmem_shared>> -> memref<632x128xf32, #tpu.memory_space<vmem_shared>>
        %dma_wait3A_33 = arith.constant 0 : i32
        %dma_wait3A_34 = tpu.memref_slice %arg5[%mul3A_26, %dma_wait3A_33] : memref<10112x128xf32, #tpu.memory_space<hbm>> -> memref<632x128xf32, #tpu.memory_space<hbm>>
        tpu.wait_dma2 semaphore(%run_scoped3A : memref<!tpu.dma_semaphore, #tpu.memory_space<semaphore_mem>>) src(%dma_wait3A_34 : memref<632x128xf32, #tpu.memory_space<hbm>>) dst(%dma_wait3A_32 : memref<632x128xf32, #tpu.memory_space<vmem_shared>>)
        tpu.yield
      }) : () -> ()
    } else {
    }
    %barrier3A = arith.constant 0 : index
    tpu.barrier barrier_id(%barrier3A)
    %eq3A_2 = arith.constant 0 : i32
    %eq3A_3 = arith.cmpi eq, %arg0, %eq3A_2 : i32
    %jit3A = arith.constant 4 : i32
    %jit3A_4 = arith.constant 0 : i32
    %select_n3A = arith.select %eq3A_3, %jit3A, %jit3A_4 : i32
    %sub3A = arith.constant 0 : i32
    %sub3A_5 = arith.subi %select_n3A, %sub3A : i32
    %sub3A_6 = arith.constant 1 : i32
    %sub3A_7 = arith.constant 1 : i32
    %sub3A_8 = arith.subi %sub3A_6, %sub3A_7 : i32
    %add3A = arith.addi %sub3A_5, %sub3A_8 : i32
    %div3A = arith.constant 1 : i32
    %div3A_9 = arith.divsi %add3A, %div3A : i32
    %while3A = arith.constant 1 : i32
    %while3A_10 = arith.constant 0 : i32
    %while3A_11 = arith.constant 0 : i32
    %while3A_12 = arith.subi %div3A_9, %while3A_11 : i32
    %while3A_13 = arith.addi %while3A_11, %while3A_12 : i32
    %while3A_14 = arith.constant 1 : i32
    %while3A_15 = arith.divsi %while3A_12, %while3A_14 : i32
    %while3A_16 = arith.muli %while3A_15, %while3A_14 : i32
    %while3A_17 = arith.addi %while3A_11, %while3A_16 : i32
    %while3A_18 = arith.constant 1 : i32
    scf.for %while3A_26 = %while3A_11 to %while3A_17 step %while3A_18  : i32 {
      %mul3A = arith.muli %while3A_26, %while3A : i32
      %add3A_27 = arith.addi %while3A_10, %mul3A : i32
      %mul3A_28 = arith.constant 40 : i32
      %mul3A_29 = arith.muli %add3A_27, %mul3A_28 : i32
      %multiple_of3A = tpu.assume_multiple %mul3A_29, 8 : i32
      "tpu.region"() ({
        %run_scoped3A = tpu.sem_alloc : memref<!tpu.dma_semaphore, #tpu.memory_space<semaphore_mem>>
        %dma_start3A_40 = arith.constant 0 : i32
        %dma_start3A_41 = tpu.memref_slice %arg3[%arg1, %multiple_of3A, %dma_start3A_40] : memref<16x160x128xi32, #tpu.memory_space<hbm>> -> memref<1x40x128xi32, #tpu.memory_space<hbm>>
        %dma_start3A_42 = tpu.memref_squeeze %dma_start3A_41 : memref<1x40x128xi32, #tpu.memory_space<hbm>> -> memref<40x128xi32, #tpu.memory_space<hbm>>
        %dma_start3A_43 = arith.constant 0 : i32
        %dma_start3A_44 = tpu.memref_slice %arg3[%arg1, %multiple_of3A, %dma_start3A_43] : memref<16x160x128xi32, #tpu.memory_space<hbm>> -> memref<1x40x128xi32, #tpu.memory_space<hbm>>
        %dma_start3A_45 = tpu.memref_squeeze %dma_start3A_44 : memref<1x40x128xi32, #tpu.memory_space<hbm>> -> memref<40x128xi32, #tpu.memory_space<hbm>>
        tpu.enqueue_dma source(%dma_start3A_45 : memref<40x128xi32, #tpu.memory_space<hbm>>) target(%arg7 : memref<40x128xi32, #tpu.memory_space<vmem>>) target_semaphore(%run_scoped3A : memref<!tpu.dma_semaphore, #tpu.memory_space<semaphore_mem>>)
        %dma_wait3A = arith.constant 0 : i32
        %dma_wait3A_46 = tpu.memref_slice %arg3[%arg1, %multiple_of3A, %dma_wait3A] : memref<16x160x128xi32, #tpu.memory_space<hbm>> -> memref<1x40x128xi32, #tpu.memory_space<hbm>>
        %dma_wait3A_47 = tpu.memref_squeeze %dma_wait3A_46 : memref<1x40x128xi32, #tpu.memory_space<hbm>> -> memref<40x128xi32, #tpu.memory_space<hbm>>
        %dma_wait3A_48 = arith.constant 0 : i32
        %dma_wait3A_49 = tpu.memref_slice %arg3[%arg1, %multiple_of3A, %dma_wait3A_48] : memref<16x160x128xi32, #tpu.memory_space<hbm>> -> memref<1x40x128xi32, #tpu.memory_space<hbm>>
        %dma_wait3A_50 = tpu.memref_squeeze %dma_wait3A_49 : memref<1x40x128xi32, #tpu.memory_space<hbm>> -> memref<40x128xi32, #tpu.memory_space<hbm>>
        tpu.wait_dma2 semaphore(%run_scoped3A : memref<!tpu.dma_semaphore, #tpu.memory_space<semaphore_mem>>) src(%dma_wait3A_50 : memref<40x128xi32, #tpu.memory_space<hbm>>) dst(%arg7 : memref<40x128xi32, #tpu.memory_space<vmem>>)
        tpu.yield
      }) : () -> ()
      "tpu.region"() ({
        %run_scoped3A = tpu.sem_alloc : memref<!tpu.dma_semaphore, #tpu.memory_space<semaphore_mem>>
        %dma_start3A_40 = arith.constant 0 : i32
        %dma_start3A_41 = tpu.memref_slice %arg4[%arg1, %multiple_of3A, %dma_start3A_40] : memref<16x160x128xi32, #tpu.memory_space<hbm>> -> memref<1x40x128xi32, #tpu.memory_space<hbm>>
        %dma_start3A_42 = tpu.memref_squeeze %dma_start3A_41 : memref<1x40x128xi32, #tpu.memory_space<hbm>> -> memref<40x128xi32, #tpu.memory_space<hbm>>
        %dma_start3A_43 = arith.constant 0 : i32
        %dma_start3A_44 = tpu.memref_slice %arg4[%arg1, %multiple_of3A, %dma_start3A_43] : memref<16x160x128xi32, #tpu.memory_space<hbm>> -> memref<1x40x128xi32, #tpu.memory_space<hbm>>
        %dma_start3A_45 = tpu.memref_squeeze %dma_start3A_44 : memref<1x40x128xi32, #tpu.memory_space<hbm>> -> memref<40x128xi32, #tpu.memory_space<hbm>>
        tpu.enqueue_dma source(%dma_start3A_45 : memref<40x128xi32, #tpu.memory_space<hbm>>) target(%arg8 : memref<40x128xi32, #tpu.memory_space<vmem>>) target_semaphore(%run_scoped3A : memref<!tpu.dma_semaphore, #tpu.memory_space<semaphore_mem>>)
        %dma_wait3A = arith.constant 0 : i32
        %dma_wait3A_46 = tpu.memref_slice %arg4[%arg1, %multiple_of3A, %dma_wait3A] : memref<16x160x128xi32, #tpu.memory_space<hbm>> -> memref<1x40x128xi32, #tpu.memory_space<hbm>>
        %dma_wait3A_47 = tpu.memref_squeeze %dma_wait3A_46 : memref<1x40x128xi32, #tpu.memory_space<hbm>> -> memref<40x128xi32, #tpu.memory_space<hbm>>
        %dma_wait3A_48 = arith.constant 0 : i32
        %dma_wait3A_49 = tpu.memref_slice %arg4[%arg1, %multiple_of3A, %dma_wait3A_48] : memref<16x160x128xi32, #tpu.memory_space<hbm>> -> memref<1x40x128xi32, #tpu.memory_space<hbm>>
        %dma_wait3A_50 = tpu.memref_squeeze %dma_wait3A_49 : memref<1x40x128xi32, #tpu.memory_space<hbm>> -> memref<40x128xi32, #tpu.memory_space<hbm>>
        tpu.wait_dma2 semaphore(%run_scoped3A : memref<!tpu.dma_semaphore, #tpu.memory_space<semaphore_mem>>) src(%dma_wait3A_50 : memref<40x128xi32, #tpu.memory_space<hbm>>) dst(%arg8 : memref<40x128xi32, #tpu.memory_space<vmem>>)
        tpu.yield
      }) : () -> ()
      %dma_start3A = arith.constant 0 : i32
      %dma_start3A_30 = arith.constant 0 : i32
      %dma_start3A_31 = tpu.memref_slice %arg7[%dma_start3A, %dma_start3A_30] : memref<40x128xi32, #tpu.memory_space<vmem>> -> memref<1x128xi32, #tpu.memory_space<vmem>>
      %dma_start3A_32 = tpu.memref_squeeze %dma_start3A_31 : memref<1x128xi32, #tpu.memory_space<vmem>> -> memref<128xi32, #tpu.memory_space<vmem>>
      %dma_start3A_33 = arith.constant 0 : i32
      %dma_start3A_34 = arith.constant 0 : i32
      %dma_start3A_35 = tpu.memref_slice %arg2[%dma_start3A_33, %dma_start3A_34] : memref<10000x128xf32, #tpu.memory_space<hbm>> -> memref<10000x128xf32, #tpu.memory_space<hbm>>
      tpu.enqueue_indirect_dma source(%dma_start3A_35 : memref<10000x128xf32, #tpu.memory_space<hbm>>) target(%arg9 : memref<128x128xf32, #tpu.memory_space<vmem>>) offsets(%dma_start3A_32 : memref<128xi32, #tpu.memory_space<vmem>>) semaphore(%arg12 : memref<!tpu.dma_semaphore, #tpu.memory_space<semaphore_mem>>)
      %scan3A = arith.constant 0 : i32
      %scan3A_36 = arith.constant 20 : i32
      %scan3A_37 = arith.addi %scan3A, %scan3A_36 : i32
      %scan3A_38 = arith.constant 1 : i32
      scf.for %scan3A_40 = %scan3A to %scan3A_37 step %scan3A_38  : i32 {
        %mul3A_41 = arith.constant 1 : i32
        %mul3A_42 = arith.muli %scan3A_40, %mul3A_41 : i32
        %add3A_43 = arith.constant 0 : i32
        %add3A_44 = arith.addi %add3A_43, %mul3A_42 : i32
        %mul3A_45 = arith.constant 2 : i32
        %mul3A_46 = arith.muli %add3A_44, %mul3A_45 : i32
        %dma_wait3A = arith.constant 0 : i32
        %dma_wait3A_47 = tpu.memref_slice %arg7[%mul3A_46, %dma_wait3A] : memref<40x128xi32, #tpu.memory_space<vmem>> -> memref<1x128xi32, #tpu.memory_space<vmem>>
        %dma_wait3A_48 = tpu.memref_squeeze %dma_wait3A_47 : memref<1x128xi32, #tpu.memory_space<vmem>> -> memref<128xi32, #tpu.memory_space<vmem>>
        %dma_wait3A_49 = arith.constant 0 : i32
        %dma_wait3A_50 = arith.constant 0 : i32
        %dma_wait3A_51 = tpu.memref_slice %arg2[%dma_wait3A_49, %dma_wait3A_50] : memref<10000x128xf32, #tpu.memory_space<hbm>> -> memref<10000x128xf32, #tpu.memory_space<hbm>>
        tpu.wait_indirect_dma semaphore(%arg12 : memref<!tpu.dma_semaphore, #tpu.memory_space<semaphore_mem>>) src(%dma_wait3A_51 : memref<10000x128xf32, #tpu.memory_space<hbm>>) dst(%arg9 : memref<128x128xf32, #tpu.memory_space<vmem>>)
        %add3A_52 = arith.constant 1 : i32
        %add3A_53 = arith.addi %mul3A_46, %add3A_52 : i32
        %dma_start3A_54 = arith.constant 0 : i32
        %dma_start3A_55 = tpu.memref_slice %arg7[%add3A_53, %dma_start3A_54] : memref<40x128xi32, #tpu.memory_space<vmem>> -> memref<1x128xi32, #tpu.memory_space<vmem>>
        %dma_start3A_56 = tpu.memref_squeeze %dma_start3A_55 : memref<1x128xi32, #tpu.memory_space<vmem>> -> memref<128xi32, #tpu.memory_space<vmem>>
        %dma_start3A_57 = arith.constant 0 : i32
        %dma_start3A_58 = arith.constant 0 : i32
        %dma_start3A_59 = tpu.memref_slice %arg2[%dma_start3A_57, %dma_start3A_58] : memref<10000x128xf32, #tpu.memory_space<hbm>> -> memref<10000x128xf32, #tpu.memory_space<hbm>>
        tpu.enqueue_indirect_dma source(%dma_start3A_59 : memref<10000x128xf32, #tpu.memory_space<hbm>>) target(%arg10 : memref<128x128xf32, #tpu.memory_space<vmem>>) offsets(%dma_start3A_56 : memref<128xi32, #tpu.memory_space<vmem>>) semaphore(%arg13 : memref<!tpu.dma_semaphore, #tpu.memory_space<semaphore_mem>>)
        "tpu.region"() ({
          %run_scoped3A = tpu.sem_alloc : memref<!tpu.dma_semaphore, #tpu.memory_space<semaphore_mem>>
          %dma_start3A_76 = arith.constant 0 : i32
          %dma_start3A_77 = tpu.memref_slice %arg8[%mul3A_46, %dma_start3A_76] : memref<40x128xi32, #tpu.memory_space<vmem>> -> memref<1x128xi32, #tpu.memory_space<vmem>>
          %dma_start3A_78 = tpu.memref_squeeze %dma_start3A_77 : memref<1x128xi32, #tpu.memory_space<vmem>> -> memref<128xi32, #tpu.memory_space<vmem>>
          %dma_start3A_79 = arith.constant 0 : i32
          %dma_start3A_80 = arith.constant 0 : i32
          %dma_start3A_81 = tpu.memref_slice %arg11[%dma_start3A_79, %dma_start3A_80] : memref<10112x128xf32, #tpu.memory_space<vmem_shared>> -> memref<10112x128xf32, #tpu.memory_space<vmem_shared>>
          tpu.enqueue_indirect_dma source(%arg9 : memref<128x128xf32, #tpu.memory_space<vmem>>) target(%dma_start3A_81 : memref<10112x128xf32, #tpu.memory_space<vmem_shared>>) offsets(%dma_start3A_78 : memref<128xi32, #tpu.memory_space<vmem>>) semaphore(%run_scoped3A : memref<!tpu.dma_semaphore, #tpu.memory_space<semaphore_mem>>) {add = true}
          %dma_wait3A_82 = arith.constant 0 : i32
          %dma_wait3A_83 = tpu.memref_slice %arg8[%mul3A_46, %dma_wait3A_82] : memref<40x128xi32, #tpu.memory_space<vmem>> -> memref<1x128xi32, #tpu.memory_space<vmem>>
          %dma_wait3A_84 = tpu.memref_squeeze %dma_wait3A_83 : memref<1x128xi32, #tpu.memory_space<vmem>> -> memref<128xi32, #tpu.memory_space<vmem>>
          %dma_wait3A_85 = arith.constant 0 : i32
          %dma_wait3A_86 = arith.constant 0 : i32
          %dma_wait3A_87 = tpu.memref_slice %arg11[%dma_wait3A_85, %dma_wait3A_86] : memref<10112x128xf32, #tpu.memory_space<vmem_shared>> -> memref<10112x128xf32, #tpu.memory_space<vmem_shared>>
          tpu.wait_indirect_dma semaphore(%run_scoped3A : memref<!tpu.dma_semaphore, #tpu.memory_space<semaphore_mem>>) src(%arg9 : memref<128x128xf32, #tpu.memory_space<vmem>>) dst(%dma_wait3A_87 : memref<10112x128xf32, #tpu.memory_space<vmem_shared>>)
          tpu.yield
        }) : () -> ()
        %add3A_60 = arith.constant 1 : i32
        %add3A_61 = arith.addi %mul3A_46, %add3A_60 : i32
        %dma_wait3A_62 = arith.constant 0 : i32
        %dma_wait3A_63 = tpu.memref_slice %arg7[%add3A_61, %dma_wait3A_62] : memref<40x128xi32, #tpu.memory_space<vmem>> -> memref<1x128xi32, #tpu.memory_space<vmem>>
        %dma_wait3A_64 = tpu.memref_squeeze %dma_wait3A_63 : memref<1x128xi32, #tpu.memory_space<vmem>> -> memref<128xi32, #tpu.memory_space<vmem>>
        %dma_wait3A_65 = arith.constant 0 : i32
        %dma_wait3A_66 = arith.constant 0 : i32
        %dma_wait3A_67 = tpu.memref_slice %arg2[%dma_wait3A_65, %dma_wait3A_66] : memref<10000x128xf32, #tpu.memory_space<hbm>> -> memref<10000x128xf32, #tpu.memory_space<hbm>>
        tpu.wait_indirect_dma semaphore(%arg13 : memref<!tpu.dma_semaphore, #tpu.memory_space<semaphore_mem>>) src(%dma_wait3A_67 : memref<10000x128xf32, #tpu.memory_space<hbm>>) dst(%arg10 : memref<128x128xf32, #tpu.memory_space<vmem>>)
        %add3A_68 = arith.constant 1 : i32
        %add3A_69 = arith.addi %add3A_44, %add3A_68 : i32
        %lt3A = arith.constant 20 : i32
        %lt3A_70 = arith.cmpi slt, %add3A_69, %lt3A : i32
        %convert_element_type3A_71 = arith.extui %lt3A_70 : i1 to i32
        %cond3A_72 = arith.constant 0 : i32
        %cond3A_73 = arith.cmpi ne, %convert_element_type3A_71, %cond3A_72 : i32
        scf.if %cond3A_73 {
          %add3A_76 = arith.constant 2 : i32
          %add3A_77 = arith.addi %mul3A_46, %add3A_76 : i32
          %dma_start3A_78 = arith.constant 0 : i32
          %dma_start3A_79 = tpu.memref_slice %arg7[%add3A_77, %dma_start3A_78] : memref<40x128xi32, #tpu.memory_space<vmem>> -> memref<1x128xi32, #tpu.memory_space<vmem>>
          %dma_start3A_80 = tpu.memref_squeeze %dma_start3A_79 : memref<1x128xi32, #tpu.memory_space<vmem>> -> memref<128xi32, #tpu.memory_space<vmem>>
          %dma_start3A_81 = arith.constant 0 : i32
          %dma_start3A_82 = arith.constant 0 : i32
          %dma_start3A_83 = tpu.memref_slice %arg2[%dma_start3A_81, %dma_start3A_82] : memref<10000x128xf32, #tpu.memory_space<hbm>> -> memref<10000x128xf32, #tpu.memory_space<hbm>>
          tpu.enqueue_indirect_dma source(%dma_start3A_83 : memref<10000x128xf32, #tpu.memory_space<hbm>>) target(%arg9 : memref<128x128xf32, #tpu.memory_space<vmem>>) offsets(%dma_start3A_80 : memref<128xi32, #tpu.memory_space<vmem>>) semaphore(%arg12 : memref<!tpu.dma_semaphore, #tpu.memory_space<semaphore_mem>>)
        } else {
        }
        %add3A_74 = arith.constant 1 : i32
        %add3A_75 = arith.addi %mul3A_46, %add3A_74 : i32
        "tpu.region"() ({
          %run_scoped3A = tpu.sem_alloc : memref<!tpu.dma_semaphore, #tpu.memory_space<semaphore_mem>>
          %dma_start3A_76 = arith.constant 0 : i32
          %dma_start3A_77 = tpu.memref_slice %arg8[%add3A_75, %dma_start3A_76] : memref<40x128xi32, #tpu.memory_space<vmem>> -> memref<1x128xi32, #tpu.memory_space<vmem>>
          %dma_start3A_78 = tpu.memref_squeeze %dma_start3A_77 : memref<1x128xi32, #tpu.memory_space<vmem>> -> memref<128xi32, #tpu.memory_space<vmem>>
          %dma_start3A_79 = arith.constant 0 : i32
          %dma_start3A_80 = arith.constant 0 : i32
          %dma_start3A_81 = tpu.memref_slice %arg11[%dma_start3A_79, %dma_start3A_80] : memref<10112x128xf32, #tpu.memory_space<vmem_shared>> -> memref<10112x128xf32, #tpu.memory_space<vmem_shared>>
          tpu.enqueue_indirect_dma source(%arg10 : memref<128x128xf32, #tpu.memory_space<vmem>>) target(%dma_start3A_81 : memref<10112x128xf32, #tpu.memory_space<vmem_shared>>) offsets(%dma_start3A_78 : memref<128xi32, #tpu.memory_space<vmem>>) semaphore(%run_scoped3A : memref<!tpu.dma_semaphore, #tpu.memory_space<semaphore_mem>>) {add = true}
          %dma_wait3A_82 = arith.constant 0 : i32
          %dma_wait3A_83 = tpu.memref_slice %arg8[%add3A_75, %dma_wait3A_82] : memref<40x128xi32, #tpu.memory_space<vmem>> -> memref<1x128xi32, #tpu.memory_space<vmem>>
          %dma_wait3A_84 = tpu.memref_squeeze %dma_wait3A_83 : memref<1x128xi32, #tpu.memory_space<vmem>> -> memref<128xi32, #tpu.memory_space<vmem>>
          %dma_wait3A_85 = arith.constant 0 : i32
          %dma_wait3A_86 = arith.constant 0 : i32
          %dma_wait3A_87 = tpu.memref_slice %arg11[%dma_wait3A_85, %dma_wait3A_86] : memref<10112x128xf32, #tpu.memory_space<vmem_shared>> -> memref<10112x128xf32, #tpu.memory_space<vmem_shared>>
          tpu.wait_indirect_dma semaphore(%run_scoped3A : memref<!tpu.dma_semaphore, #tpu.memory_space<semaphore_mem>>) src(%arg10 : memref<128x128xf32, #tpu.memory_space<vmem>>) dst(%dma_wait3A_87 : memref<10112x128xf32, #tpu.memory_space<vmem_shared>>)
          tpu.yield
        }) : () -> ()
      }
      %scan3A_39 = arith.constant 20 : i32
    }
    %while3A_19 = arith.constant 1 : i32
    scf.for %while3A_26 = %while3A_17 to %while3A_13 step %while3A_19  : i32 {
      %mul3A = arith.muli %while3A_26, %while3A : i32
      %add3A_27 = arith.addi %while3A_10, %mul3A : i32
      %mul3A_28 = arith.constant 40 : i32
      %mul3A_29 = arith.muli %add3A_27, %mul3A_28 : i32
      %multiple_of3A = tpu.assume_multiple %mul3A_29, 8 : i32
      "tpu.region"() ({
        %run_scoped3A = tpu.sem_alloc : memref<!tpu.dma_semaphore, #tpu.memory_space<semaphore_mem>>
        %dma_start3A_40 = arith.constant 0 : i32
        %dma_start3A_41 = tpu.memref_slice %arg3[%arg1, %multiple_of3A, %dma_start3A_40] : memref<16x160x128xi32, #tpu.memory_space<hbm>> -> memref<1x40x128xi32, #tpu.memory_space<hbm>>
        %dma_start3A_42 = tpu.memref_squeeze %dma_start3A_41 : memref<1x40x128xi32, #tpu.memory_space<hbm>> -> memref<40x128xi32, #tpu.memory_space<hbm>>
        %dma_start3A_43 = arith.constant 0 : i32
        %dma_start3A_44 = tpu.memref_slice %arg3[%arg1, %multiple_of3A, %dma_start3A_43] : memref<16x160x128xi32, #tpu.memory_space<hbm>> -> memref<1x40x128xi32, #tpu.memory_space<hbm>>
        %dma_start3A_45 = tpu.memref_squeeze %dma_start3A_44 : memref<1x40x128xi32, #tpu.memory_space<hbm>> -> memref<40x128xi32, #tpu.memory_space<hbm>>
        tpu.enqueue_dma source(%dma_start3A_45 : memref<40x128xi32, #tpu.memory_space<hbm>>) target(%arg7 : memref<40x128xi32, #tpu.memory_space<vmem>>) target_semaphore(%run_scoped3A : memref<!tpu.dma_semaphore, #tpu.memory_space<semaphore_mem>>)
        %dma_wait3A = arith.constant 0 : i32
        %dma_wait3A_46 = tpu.memref_slice %arg3[%arg1, %multiple_of3A, %dma_wait3A] : memref<16x160x128xi32, #tpu.memory_space<hbm>> -> memref<1x40x128xi32, #tpu.memory_space<hbm>>
        %dma_wait3A_47 = tpu.memref_squeeze %dma_wait3A_46 : memref<1x40x128xi32, #tpu.memory_space<hbm>> -> memref<40x128xi32, #tpu.memory_space<hbm>>
        %dma_wait3A_48 = arith.constant 0 : i32
        %dma_wait3A_49 = tpu.memref_slice %arg3[%arg1, %multiple_of3A, %dma_wait3A_48] : memref<16x160x128xi32, #tpu.memory_space<hbm>> -> memref<1x40x128xi32, #tpu.memory_space<hbm>>
        %dma_wait3A_50 = tpu.memref_squeeze %dma_wait3A_49 : memref<1x40x128xi32, #tpu.memory_space<hbm>> -> memref<40x128xi32, #tpu.memory_space<hbm>>
        tpu.wait_dma2 semaphore(%run_scoped3A : memref<!tpu.dma_semaphore, #tpu.memory_space<semaphore_mem>>) src(%dma_wait3A_50 : memref<40x128xi32, #tpu.memory_space<hbm>>) dst(%arg7 : memref<40x128xi32, #tpu.memory_space<vmem>>)
        tpu.yield
      }) : () -> ()
      "tpu.region"() ({
        %run_scoped3A = tpu.sem_alloc : memref<!tpu.dma_semaphore, #tpu.memory_space<semaphore_mem>>
        %dma_start3A_40 = arith.constant 0 : i32
        %dma_start3A_41 = tpu.memref_slice %arg4[%arg1, %multiple_of3A, %dma_start3A_40] : memref<16x160x128xi32, #tpu.memory_space<hbm>> -> memref<1x40x128xi32, #tpu.memory_space<hbm>>
        %dma_start3A_42 = tpu.memref_squeeze %dma_start3A_41 : memref<1x40x128xi32, #tpu.memory_space<hbm>> -> memref<40x128xi32, #tpu.memory_space<hbm>>
        %dma_start3A_43 = arith.constant 0 : i32
        %dma_start3A_44 = tpu.memref_slice %arg4[%arg1, %multiple_of3A, %dma_start3A_43] : memref<16x160x128xi32, #tpu.memory_space<hbm>> -> memref<1x40x128xi32, #tpu.memory_space<hbm>>
        %dma_start3A_45 = tpu.memref_squeeze %dma_start3A_44 : memref<1x40x128xi32, #tpu.memory_space<hbm>> -> memref<40x128xi32, #tpu.memory_space<hbm>>
        tpu.enqueue_dma source(%dma_start3A_45 : memref<40x128xi32, #tpu.memory_space<hbm>>) target(%arg8 : memref<40x128xi32, #tpu.memory_space<vmem>>) target_semaphore(%run_scoped3A : memref<!tpu.dma_semaphore, #tpu.memory_space<semaphore_mem>>)
        %dma_wait3A = arith.constant 0 : i32
        %dma_wait3A_46 = tpu.memref_slice %arg4[%arg1, %multiple_of3A, %dma_wait3A] : memref<16x160x128xi32, #tpu.memory_space<hbm>> -> memref<1x40x128xi32, #tpu.memory_space<hbm>>
        %dma_wait3A_47 = tpu.memref_squeeze %dma_wait3A_46 : memref<1x40x128xi32, #tpu.memory_space<hbm>> -> memref<40x128xi32, #tpu.memory_space<hbm>>
        %dma_wait3A_48 = arith.constant 0 : i32
        %dma_wait3A_49 = tpu.memref_slice %arg4[%arg1, %multiple_of3A, %dma_wait3A_48] : memref<16x160x128xi32, #tpu.memory_space<hbm>> -> memref<1x40x128xi32, #tpu.memory_space<hbm>>
        %dma_wait3A_50 = tpu.memref_squeeze %dma_wait3A_49 : memref<1x40x128xi32, #tpu.memory_space<hbm>> -> memref<40x128xi32, #tpu.memory_space<hbm>>
        tpu.wait_dma2 semaphore(%run_scoped3A : memref<!tpu.dma_semaphore, #tpu.memory_space<semaphore_mem>>) src(%dma_wait3A_50 : memref<40x128xi32, #tpu.memory_space<hbm>>) dst(%arg8 : memref<40x128xi32, #tpu.memory_space<vmem>>)
        tpu.yield
      }) : () -> ()
      %dma_start3A = arith.constant 0 : i32
      %dma_start3A_30 = arith.constant 0 : i32
      %dma_start3A_31 = tpu.memref_slice %arg7[%dma_start3A, %dma_start3A_30] : memref<40x128xi32, #tpu.memory_space<vmem>> -> memref<1x128xi32, #tpu.memory_space<vmem>>
      %dma_start3A_32 = tpu.memref_squeeze %dma_start3A_31 : memref<1x128xi32, #tpu.memory_space<vmem>> -> memref<128xi32, #tpu.memory_space<vmem>>
      %dma_start3A_33 = arith.constant 0 : i32
      %dma_start3A_34 = arith.constant 0 : i32
      %dma_start3A_35 = tpu.memref_slice %arg2[%dma_start3A_33, %dma_start3A_34] : memref<10000x128xf32, #tpu.memory_space<hbm>> -> memref<10000x128xf32, #tpu.memory_space<hbm>>
      tpu.enqueue_indirect_dma source(%dma_start3A_35 : memref<10000x128xf32, #tpu.memory_space<hbm>>) target(%arg9 : memref<128x128xf32, #tpu.memory_space<vmem>>) offsets(%dma_start3A_32 : memref<128xi32, #tpu.memory_space<vmem>>) semaphore(%arg12 : memref<!tpu.dma_semaphore, #tpu.memory_space<semaphore_mem>>)
      %scan3A = arith.constant 0 : i32
      %scan3A_36 = arith.constant 20 : i32
      %scan3A_37 = arith.addi %scan3A, %scan3A_36 : i32
      %scan3A_38 = arith.constant 1 : i32
      scf.for %scan3A_40 = %scan3A to %scan3A_37 step %scan3A_38  : i32 {
        %mul3A_41 = arith.constant 1 : i32
        %mul3A_42 = arith.muli %scan3A_40, %mul3A_41 : i32
        %add3A_43 = arith.constant 0 : i32
        %add3A_44 = arith.addi %add3A_43, %mul3A_42 : i32
        %mul3A_45 = arith.constant 2 : i32
        %mul3A_46 = arith.muli %add3A_44, %mul3A_45 : i32
        %dma_wait3A = arith.constant 0 : i32
        %dma_wait3A_47 = tpu.memref_slice %arg7[%mul3A_46, %dma_wait3A] : memref<40x128xi32, #tpu.memory_space<vmem>> -> memref<1x128xi32, #tpu.memory_space<vmem>>
        %dma_wait3A_48 = tpu.memref_squeeze %dma_wait3A_47 : memref<1x128xi32, #tpu.memory_space<vmem>> -> memref<128xi32, #tpu.memory_space<vmem>>
        %dma_wait3A_49 = arith.constant 0 : i32
        %dma_wait3A_50 = arith.constant 0 : i32
        %dma_wait3A_51 = tpu.memref_slice %arg2[%dma_wait3A_49, %dma_wait3A_50] : memref<10000x128xf32, #tpu.memory_space<hbm>> -> memref<10000x128xf32, #tpu.memory_space<hbm>>
        tpu.wait_indirect_dma semaphore(%arg12 : memref<!tpu.dma_semaphore, #tpu.memory_space<semaphore_mem>>) src(%dma_wait3A_51 : memref<10000x128xf32, #tpu.memory_space<hbm>>) dst(%arg9 : memref<128x128xf32, #tpu.memory_space<vmem>>)
        %add3A_52 = arith.constant 1 : i32
        %add3A_53 = arith.addi %mul3A_46, %add3A_52 : i32
        %dma_start3A_54 = arith.constant 0 : i32
        %dma_start3A_55 = tpu.memref_slice %arg7[%add3A_53, %dma_start3A_54] : memref<40x128xi32, #tpu.memory_space<vmem>> -> memref<1x128xi32, #tpu.memory_space<vmem>>
        %dma_start3A_56 = tpu.memref_squeeze %dma_start3A_55 : memref<1x128xi32, #tpu.memory_space<vmem>> -> memref<128xi32, #tpu.memory_space<vmem>>
        %dma_start3A_57 = arith.constant 0 : i32
        %dma_start3A_58 = arith.constant 0 : i32
        %dma_start3A_59 = tpu.memref_slice %arg2[%dma_start3A_57, %dma_start3A_58] : memref<10000x128xf32, #tpu.memory_space<hbm>> -> memref<10000x128xf32, #tpu.memory_space<hbm>>
        tpu.enqueue_indirect_dma source(%dma_start3A_59 : memref<10000x128xf32, #tpu.memory_space<hbm>>) target(%arg10 : memref<128x128xf32, #tpu.memory_space<vmem>>) offsets(%dma_start3A_56 : memref<128xi32, #tpu.memory_space<vmem>>) semaphore(%arg13 : memref<!tpu.dma_semaphore, #tpu.memory_space<semaphore_mem>>)
        "tpu.region"() ({
          %run_scoped3A = tpu.sem_alloc : memref<!tpu.dma_semaphore, #tpu.memory_space<semaphore_mem>>
          %dma_start3A_76 = arith.constant 0 : i32
          %dma_start3A_77 = tpu.memref_slice %arg8[%mul3A_46, %dma_start3A_76] : memref<40x128xi32, #tpu.memory_space<vmem>> -> memref<1x128xi32, #tpu.memory_space<vmem>>
          %dma_start3A_78 = tpu.memref_squeeze %dma_start3A_77 : memref<1x128xi32, #tpu.memory_space<vmem>> -> memref<128xi32, #tpu.memory_space<vmem>>
          %dma_start3A_79 = arith.constant 0 : i32
          %dma_start3A_80 = arith.constant 0 : i32
          %dma_start3A_81 = tpu.memref_slice %arg11[%dma_start3A_79, %dma_start3A_80] : memref<10112x128xf32, #tpu.memory_space<vmem_shared>> -> memref<10112x128xf32, #tpu.memory_space<vmem_shared>>
          tpu.enqueue_indirect_dma source(%arg9 : memref<128x128xf32, #tpu.memory_space<vmem>>) target(%dma_start3A_81 : memref<10112x128xf32, #tpu.memory_space<vmem_shared>>) offsets(%dma_start3A_78 : memref<128xi32, #tpu.memory_space<vmem>>) semaphore(%run_scoped3A : memref<!tpu.dma_semaphore, #tpu.memory_space<semaphore_mem>>) {add = true}
          %dma_wait3A_82 = arith.constant 0 : i32
          %dma_wait3A_83 = tpu.memref_slice %arg8[%mul3A_46, %dma_wait3A_82] : memref<40x128xi32, #tpu.memory_space<vmem>> -> memref<1x128xi32, #tpu.memory_space<vmem>>
          %dma_wait3A_84 = tpu.memref_squeeze %dma_wait3A_83 : memref<1x128xi32, #tpu.memory_space<vmem>> -> memref<128xi32, #tpu.memory_space<vmem>>
          %dma_wait3A_85 = arith.constant 0 : i32
          %dma_wait3A_86 = arith.constant 0 : i32
          %dma_wait3A_87 = tpu.memref_slice %arg11[%dma_wait3A_85, %dma_wait3A_86] : memref<10112x128xf32, #tpu.memory_space<vmem_shared>> -> memref<10112x128xf32, #tpu.memory_space<vmem_shared>>
          tpu.wait_indirect_dma semaphore(%run_scoped3A : memref<!tpu.dma_semaphore, #tpu.memory_space<semaphore_mem>>) src(%arg9 : memref<128x128xf32, #tpu.memory_space<vmem>>) dst(%dma_wait3A_87 : memref<10112x128xf32, #tpu.memory_space<vmem_shared>>)
          tpu.yield
        }) : () -> ()
        %add3A_60 = arith.constant 1 : i32
        %add3A_61 = arith.addi %mul3A_46, %add3A_60 : i32
        %dma_wait3A_62 = arith.constant 0 : i32
        %dma_wait3A_63 = tpu.memref_slice %arg7[%add3A_61, %dma_wait3A_62] : memref<40x128xi32, #tpu.memory_space<vmem>> -> memref<1x128xi32, #tpu.memory_space<vmem>>
        %dma_wait3A_64 = tpu.memref_squeeze %dma_wait3A_63 : memref<1x128xi32, #tpu.memory_space<vmem>> -> memref<128xi32, #tpu.memory_space<vmem>>
        %dma_wait3A_65 = arith.constant 0 : i32
        %dma_wait3A_66 = arith.constant 0 : i32
        %dma_wait3A_67 = tpu.memref_slice %arg2[%dma_wait3A_65, %dma_wait3A_66] : memref<10000x128xf32, #tpu.memory_space<hbm>> -> memref<10000x128xf32, #tpu.memory_space<hbm>>
        tpu.wait_indirect_dma semaphore(%arg13 : memref<!tpu.dma_semaphore, #tpu.memory_space<semaphore_mem>>) src(%dma_wait3A_67 : memref<10000x128xf32, #tpu.memory_space<hbm>>) dst(%arg10 : memref<128x128xf32, #tpu.memory_space<vmem>>)
        %add3A_68 = arith.constant 1 : i32
        %add3A_69 = arith.addi %add3A_44, %add3A_68 : i32
        %lt3A = arith.constant 20 : i32
        %lt3A_70 = arith.cmpi slt, %add3A_69, %lt3A : i32
        %convert_element_type3A_71 = arith.extui %lt3A_70 : i1 to i32
        %cond3A_72 = arith.constant 0 : i32
        %cond3A_73 = arith.cmpi ne, %convert_element_type3A_71, %cond3A_72 : i32
        scf.if %cond3A_73 {
          %add3A_76 = arith.constant 2 : i32
          %add3A_77 = arith.addi %mul3A_46, %add3A_76 : i32
          %dma_start3A_78 = arith.constant 0 : i32
          %dma_start3A_79 = tpu.memref_slice %arg7[%add3A_77, %dma_start3A_78] : memref<40x128xi32, #tpu.memory_space<vmem>> -> memref<1x128xi32, #tpu.memory_space<vmem>>
          %dma_start3A_80 = tpu.memref_squeeze %dma_start3A_79 : memref<1x128xi32, #tpu.memory_space<vmem>> -> memref<128xi32, #tpu.memory_space<vmem>>
          %dma_start3A_81 = arith.constant 0 : i32
          %dma_start3A_82 = arith.constant 0 : i32
          %dma_start3A_83 = tpu.memref_slice %arg2[%dma_start3A_81, %dma_start3A_82] : memref<10000x128xf32, #tpu.memory_space<hbm>> -> memref<10000x128xf32, #tpu.memory_space<hbm>>
          tpu.enqueue_indirect_dma source(%dma_start3A_83 : memref<10000x128xf32, #tpu.memory_space<hbm>>) target(%arg9 : memref<128x128xf32, #tpu.memory_space<vmem>>) offsets(%dma_start3A_80 : memref<128xi32, #tpu.memory_space<vmem>>) semaphore(%arg12 : memref<!tpu.dma_semaphore, #tpu.memory_space<semaphore_mem>>)
        } else {
        }
        %add3A_74 = arith.constant 1 : i32
        %add3A_75 = arith.addi %mul3A_46, %add3A_74 : i32
        "tpu.region"() ({
          %run_scoped3A = tpu.sem_alloc : memref<!tpu.dma_semaphore, #tpu.memory_space<semaphore_mem>>
          %dma_start3A_76 = arith.constant 0 : i32
          %dma_start3A_77 = tpu.memref_slice %arg8[%add3A_75, %dma_start3A_76] : memref<40x128xi32, #tpu.memory_space<vmem>> -> memref<1x128xi32, #tpu.memory_space<vmem>>
          %dma_start3A_78 = tpu.memref_squeeze %dma_start3A_77 : memref<1x128xi32, #tpu.memory_space<vmem>> -> memref<128xi32, #tpu.memory_space<vmem>>
          %dma_start3A_79 = arith.constant 0 : i32
          %dma_start3A_80 = arith.constant 0 : i32
          %dma_start3A_81 = tpu.memref_slice %arg11[%dma_start3A_79, %dma_start3A_80] : memref<10112x128xf32, #tpu.memory_space<vmem_shared>> -> memref<10112x128xf32, #tpu.memory_space<vmem_shared>>
          tpu.enqueue_indirect_dma source(%arg10 : memref<128x128xf32, #tpu.memory_space<vmem>>) target(%dma_start3A_81 : memref<10112x128xf32, #tpu.memory_space<vmem_shared>>) offsets(%dma_start3A_78 : memref<128xi32, #tpu.memory_space<vmem>>) semaphore(%run_scoped3A : memref<!tpu.dma_semaphore, #tpu.memory_space<semaphore_mem>>) {add = true}
          %dma_wait3A_82 = arith.constant 0 : i32
          %dma_wait3A_83 = tpu.memref_slice %arg8[%add3A_75, %dma_wait3A_82] : memref<40x128xi32, #tpu.memory_space<vmem>> -> memref<1x128xi32, #tpu.memory_space<vmem>>
          %dma_wait3A_84 = tpu.memref_squeeze %dma_wait3A_83 : memref<1x128xi32, #tpu.memory_space<vmem>> -> memref<128xi32, #tpu.memory_space<vmem>>
          %dma_wait3A_85 = arith.constant 0 : i32
          %dma_wait3A_86 = arith.constant 0 : i32
          %dma_wait3A_87 = tpu.memref_slice %arg11[%dma_wait3A_85, %dma_wait3A_86] : memref<10112x128xf32, #tpu.memory_space<vmem_shared>> -> memref<10112x128xf32, #tpu.memory_space<vmem_shared>>
          tpu.wait_indirect_dma semaphore(%run_scoped3A : memref<!tpu.dma_semaphore, #tpu.memory_space<semaphore_mem>>) src(%arg10 : memref<128x128xf32, #tpu.memory_space<vmem>>) dst(%dma_wait3A_87 : memref<10112x128xf32, #tpu.memory_space<vmem_shared>>)
          tpu.yield
        }) : () -> ()
      }
      %scan3A_39 = arith.constant 20 : i32
    }
    %barrier3A_20 = arith.constant 0 : index
    tpu.barrier barrier_id(%barrier3A_20)
    %eq3A_21 = arith.constant 0 : i32
    %eq3A_22 = arith.cmpi eq, %arg0, %eq3A_21 : i32
    %convert_element_type3A_23 = arith.extui %eq3A_22 : i1 to i32
    %cond3A_24 = arith.constant 0 : i32
    %cond3A_25 = arith.cmpi ne, %convert_element_type3A_23, %cond3A_24 : i32
    scf.if %cond3A_25 {
      %mul3A = arith.constant 632 : i32
      %mul3A_26 = arith.muli %arg1, %mul3A : i32
      %mul3A_27 = arith.constant 632 : i32
      %mul3A_28 = arith.muli %arg1, %mul3A_27 : i32
      "tpu.region"() ({
        %run_scoped3A = tpu.sem_alloc : memref<!tpu.dma_semaphore, #tpu.memory_space<semaphore_mem>>
        %dma_start3A = arith.constant 0 : i32
        %dma_start3A_29 = tpu.memref_slice %arg6[%mul3A_28, %dma_start3A] : memref<10112x128xf32, #tpu.memory_space<hbm>> -> memref<632x128xf32, #tpu.memory_space<hbm>>
        %dma_start3A_30 = arith.constant 0 : i32
        %dma_start3A_31 = tpu.memref_slice %arg11[%mul3A_26, %dma_start3A_30] : memref<10112x128xf32, #tpu.memory_space<vmem_shared>> -> memref<632x128xf32, #tpu.memory_space<vmem_shared>>
        tpu.enqueue_dma source(%dma_start3A_31 : memref<632x128xf32, #tpu.memory_space<vmem_shared>>) target(%dma_start3A_29 : memref<632x128xf32, #tpu.memory_space<hbm>>) target_semaphore(%run_scoped3A : memref<!tpu.dma_semaphore, #tpu.memory_space<semaphore_mem>>)
        %dma_wait3A = arith.constant 0 : i32
        %dma_wait3A_32 = tpu.memref_slice %arg6[%mul3A_28, %dma_wait3A] : memref<10112x128xf32, #tpu.memory_space<hbm>> -> memref<632x128xf32, #tpu.memory_space<hbm>>
        %dma_wait3A_33 = arith.constant 0 : i32
        %dma_wait3A_34 = tpu.memref_slice %arg11[%mul3A_26, %dma_wait3A_33] : memref<10112x128xf32, #tpu.memory_space<vmem_shared>> -> memref<632x128xf32, #tpu.memory_space<vmem_shared>>
        tpu.wait_dma2 semaphore(%run_scoped3A : memref<!tpu.dma_semaphore, #tpu.memory_space<semaphore_mem>>) src(%dma_wait3A_34 : memref<632x128xf32, #tpu.memory_space<vmem_shared>>) dst(%dma_wait3A_32 : memref<632x128xf32, #tpu.memory_space<hbm>>)
        tpu.yield
      }) : () -> ()
    } else {
    }
    return
  }
}

#map = affine_map<(d0, d1) -> (0, 0)>
#map1 = affine_map<(d0, d1) -> (0)>
module attributes {stable_mosaic.version = 14 : i64} {
  func.func @deg_kernel(%arg0: i32, %arg1: i32, %arg2: memref<32x10240xi32, #tpu.memory_space<hbm>>, %arg3: memref<10112xf32, #tpu.memory_space<hbm>>, %arg4: memref<32x10112xf32, #tpu.memory_space<hbm>>, %arg5: memref<10240xi32, #tpu.memory_space<vmem>>, %arg6: memref<10112xf32, #tpu.memory_space<vmem>>) attributes {dimension_semantics = [#tpu.dimension_semantics<core_parallel>, #tpu.dimension_semantics<subcore_parallel>], iteration_bounds = array<i64: 2, 16>, scalar_prefetch = 0 : i64, scratch_operands = 2 : i64, tpu.core_type = #tpu.core_type<sc_vector_subcore>, window_params = [{transform_indices = #map}, {transform_indices = #map1}, {transform_indices = #map}]} {
    %mul3A = arith.constant 2 : i32
    %mul3A_0 = arith.muli %arg1, %mul3A : i32
    %add3A = arith.addi %mul3A_0, %arg0 : i32
    "tpu.region"() ({
      %run_scoped3A = tpu.sem_alloc : memref<!tpu.dma_semaphore, #tpu.memory_space<semaphore_mem>>
      tpu.enqueue_dma source(%arg3 : memref<10112xf32, #tpu.memory_space<hbm>>) target(%arg6 : memref<10112xf32, #tpu.memory_space<vmem>>) target_semaphore(%run_scoped3A : memref<!tpu.dma_semaphore, #tpu.memory_space<semaphore_mem>>)
      tpu.wait_dma2 semaphore(%run_scoped3A : memref<!tpu.dma_semaphore, #tpu.memory_space<semaphore_mem>>) src(%arg3 : memref<10112xf32, #tpu.memory_space<hbm>>) dst(%arg6 : memref<10112xf32, #tpu.memory_space<vmem>>)
      tpu.yield
    }) : () -> ()
    "tpu.region"() ({
      %run_scoped3A = tpu.sem_alloc : memref<!tpu.dma_semaphore, #tpu.memory_space<semaphore_mem>>
      %dma_start3A = arith.constant 0 : i32
      %dma_start3A_6 = tpu.memref_slice %arg2[%add3A, %dma_start3A] : memref<32x10240xi32, #tpu.memory_space<hbm>> -> memref<1x10240xi32, #tpu.memory_space<hbm>>
      %dma_start3A_7 = tpu.memref_squeeze %dma_start3A_6 : memref<1x10240xi32, #tpu.memory_space<hbm>> -> memref<10240xi32, #tpu.memory_space<hbm>>
      %dma_start3A_8 = arith.constant 0 : i32
      %dma_start3A_9 = tpu.memref_slice %arg2[%add3A, %dma_start3A_8] : memref<32x10240xi32, #tpu.memory_space<hbm>> -> memref<1x10240xi32, #tpu.memory_space<hbm>>
      %dma_start3A_10 = tpu.memref_squeeze %dma_start3A_9 : memref<1x10240xi32, #tpu.memory_space<hbm>> -> memref<10240xi32, #tpu.memory_space<hbm>>
      tpu.enqueue_dma source(%dma_start3A_10 : memref<10240xi32, #tpu.memory_space<hbm>>) target(%arg5 : memref<10240xi32, #tpu.memory_space<vmem>>) target_semaphore(%run_scoped3A : memref<!tpu.dma_semaphore, #tpu.memory_space<semaphore_mem>>)
      %dma_wait3A = arith.constant 0 : i32
      %dma_wait3A_11 = tpu.memref_slice %arg2[%add3A, %dma_wait3A] : memref<32x10240xi32, #tpu.memory_space<hbm>> -> memref<1x10240xi32, #tpu.memory_space<hbm>>
      %dma_wait3A_12 = tpu.memref_squeeze %dma_wait3A_11 : memref<1x10240xi32, #tpu.memory_space<hbm>> -> memref<10240xi32, #tpu.memory_space<hbm>>
      %dma_wait3A_13 = arith.constant 0 : i32
      %dma_wait3A_14 = tpu.memref_slice %arg2[%add3A, %dma_wait3A_13] : memref<32x10240xi32, #tpu.memory_space<hbm>> -> memref<1x10240xi32, #tpu.memory_space<hbm>>
      %dma_wait3A_15 = tpu.memref_squeeze %dma_wait3A_14 : memref<1x10240xi32, #tpu.memory_space<hbm>> -> memref<10240xi32, #tpu.memory_space<hbm>>
      tpu.wait_dma2 semaphore(%run_scoped3A : memref<!tpu.dma_semaphore, #tpu.memory_space<semaphore_mem>>) src(%dma_wait3A_15 : memref<10240xi32, #tpu.memory_space<hbm>>) dst(%arg5 : memref<10240xi32, #tpu.memory_space<vmem>>)
      tpu.yield
    }) : () -> ()
    %broadcast_in_dim3A = arith.constant 1.000000e+00 : f32
    %broadcast_in_dim3A_1 = vector.broadcast %broadcast_in_dim3A : f32 to vector<16xf32>
    %scan3A = arith.constant 0 : i32
    %scan3A_2 = arith.constant 640 : i32
    %scan3A_3 = arith.addi %scan3A, %scan3A_2 : i32
    %scan3A_4 = arith.constant 1 : i32
    scf.for %scan3A_6 = %scan3A to %scan3A_3 step %scan3A_4  : i32 {
      %mul3A_7 = arith.constant 1 : i32
      %mul3A_8 = arith.muli %scan3A_6, %mul3A_7 : i32
      %add3A_9 = arith.constant 0 : i32
      %add3A_10 = arith.addi %add3A_9, %mul3A_8 : i32
      %mul3A_11 = arith.constant 16 : i32
      %mul3A_12 = arith.muli %add3A_10, %mul3A_11 : i32
      %get3A = arith.index_cast %mul3A_12 : i32 to index
      %get3A_13 = tpu.vector_load %arg5[%get3A] {strides = array<i32>} : memref<10240xi32, #tpu.memory_space<vmem>>, vector<16xi32>,
      tpu.vector_store_idx %arg6[%get3A_13], %broadcast_in_dim3A_1 {add = true} : memref<10112xf32, #tpu.memory_space<vmem>>[vector<16xi32>], vector<16xf32>,
    }
    %scan3A_5 = arith.constant 640 : i32
    "tpu.region"() ({
      %run_scoped3A = tpu.sem_alloc : memref<!tpu.dma_semaphore, #tpu.memory_space<semaphore_mem>>
      %dma_start3A = arith.constant 0 : i32
      %dma_start3A_6 = tpu.memref_slice %arg4[%add3A, %dma_start3A] : memref<32x10112xf32, #tpu.memory_space<hbm>> -> memref<1x10112xf32, #tpu.memory_space<hbm>>
      %dma_start3A_7 = tpu.memref_squeeze %dma_start3A_6 : memref<1x10112xf32, #tpu.memory_space<hbm>> -> memref<10112xf32, #tpu.memory_space<hbm>>
      %dma_start3A_8 = arith.constant 0 : i32
      %dma_start3A_9 = tpu.memref_slice %arg4[%add3A, %dma_start3A_8] : memref<32x10112xf32, #tpu.memory_space<hbm>> -> memref<1x10112xf32, #tpu.memory_space<hbm>>
      %dma_start3A_10 = tpu.memref_squeeze %dma_start3A_9 : memref<1x10112xf32, #tpu.memory_space<hbm>> -> memref<10112xf32, #tpu.memory_space<hbm>>
      tpu.enqueue_dma source(%arg6 : memref<10112xf32, #tpu.memory_space<vmem>>) target(%dma_start3A_10 : memref<10112xf32, #tpu.memory_space<hbm>>) target_semaphore(%run_scoped3A : memref<!tpu.dma_semaphore, #tpu.memory_space<semaphore_mem>>)
      %dma_wait3A = arith.constant 0 : i32
      %dma_wait3A_11 = tpu.memref_slice %arg4[%add3A, %dma_wait3A] : memref<32x10112xf32, #tpu.memory_space<hbm>> -> memref<1x10112xf32, #tpu.memory_space<hbm>>
      %dma_wait3A_12 = tpu.memref_squeeze %dma_wait3A_11 : memref<1x10112xf32, #tpu.memory_space<hbm>> -> memref<10112xf32, #tpu.memory_space<hbm>>
      %dma_wait3A_13 = arith.constant 0 : i32
      %dma_wait3A_14 = tpu.memref_slice %arg4[%add3A, %dma_wait3A_13] : memref<32x10112xf32, #tpu.memory_space<hbm>> -> memref<1x10112xf32, #tpu.memory_space<hbm>>
      %dma_wait3A_15 = tpu.memref_squeeze %dma_wait3A_14 : memref<1x10112xf32, #tpu.memory_space<hbm>> -> memref<10112xf32, #tpu.memory_space<hbm>>
      tpu.wait_dma2 semaphore(%run_scoped3A : memref<!tpu.dma_semaphore, #tpu.memory_space<semaphore_mem>>) src(%arg6 : memref<10112xf32, #tpu.memory_space<vmem>>) dst(%dma_wait3A_15 : memref<10112xf32, #tpu.memory_space<hbm>>)
      tpu.yield
    }) : () -> ()
    return
  }
}

module attributes {stable_mosaic.version = 14 : i64} {
  func.func @body(%arg0: i32, %arg1: memref<1000x128xf32, #tpu.memory_space<vmem>>, %arg2: memref<128x128xf32, #tpu.memory_space<vmem>>, %arg3: memref<1000x32xf32, #tpu.memory_space<vmem>>, %arg4: memref<1000x128xf32, #tpu.memory_space<vmem>>) attributes {dimension_semantics = [#tpu.dimension_semantics<arbitrary>], iteration_bounds = array<i64: 10>, scalar_prefetch = 0 : i64, scratch_operands = 0 : i64, tpu.core_type = #tpu.core_type<tc>, window_params = [{transform_indices = @transform_0, window_bounds = array<i64: 1000, 128>}, {pipeline_mode = #tpu.pipeline_mode<synchronous>, transform_indices = @transform_1, window_bounds = array<i64: 128, 128>}, {transform_indices = @transform_2, window_bounds = array<i64: 1000, 32>}, {transform_indices = @transform_3, window_bounds = array<i64: 1000, 128>}]} {
    %get3A = arith.constant 0 : index
    %get3A_0 = arith.constant 0 : index
    %get3A_1 = vector.load %arg3[%get3A, %get3A_0] : memref<1000x32xf32, #tpu.memory_space<vmem>>, vector<1000x32xf32>
    %reduce_sum3A = arith.constant dense<0.000000e+00> : vector<1000xf32>
    %reduce_sum3A_2 = vector.multi_reduction <add>, %get3A_1, %reduce_sum3A [1] : vector<1000x32xf32> to vector<1000xf32>
    %broadcast_in_dim3A = vector.shape_cast %reduce_sum3A_2 : vector<1000xf32> to vector<1000x1xf32>
    %add3A = arith.constant 1.000000e+00 : f32
    %add3A_3 = vector.broadcast %add3A : f32 to vector<1000x1xf32>
    %add3A_4 = arith.addf %broadcast_in_dim3A, %add3A_3 : vector<1000x1xf32>
    %get3A_5 = arith.constant 0 : index
    %get3A_6 = arith.constant 0 : index
    %get3A_7 = vector.load %arg1[%get3A_5, %get3A_6] : memref<1000x128xf32, #tpu.memory_space<vmem>>, vector<1000x128xf32>
    %get3A_8 = arith.constant 0 : index
    %get3A_9 = arith.constant 0 : index
    %get3A_10 = vector.load %arg2[%get3A_8, %get3A_9] : memref<128x128xf32, #tpu.memory_space<vmem>>, vector<128x128xf32>
    %dot_general3A = arith.constant dense<0.000000e+00> : vector<1000x128xf32>
    %dot_general3A_11 = tpu.matmul %get3A_7, %get3A_10, %dot_general3A {dimension_numbers = #tpu.dot_dimension_numbers<[1], [0], [0], [1], [0, 0, 1, 1], [], []>, transpose_lhs_hint = false} : vector<1000x128xf32>, vector<128x128xf32>, vector<1000x128xf32> -> vector<1000x128xf32>
    %rsqrt3A = math.rsqrt %add3A_4 : vector<1000x1xf32>
    %mul3A = vector.broadcast %rsqrt3A : vector<1000x1xf32> to vector<1000x128xf32>
    %mul3A_12 = arith.mulf %dot_general3A_11, %mul3A : vector<1000x128xf32>
    %swap3A = arith.constant 0 : index
    %swap3A_13 = arith.constant 0 : index
    %swap3A_14 = vector.load %arg4[%swap3A, %swap3A_13] : memref<1000x128xf32, #tpu.memory_space<vmem>>, vector<1000x128xf32>
    tpu.vector_store %arg4[%swap3A, %swap3A_13], %mul3A_12 {strides = array<i32>} : memref<1000x128xf32, #tpu.memory_space<vmem>>, vector<1000x128xf32>,
    return
  }
  func.func @transform_0(%arg0: i32) -> (i32, i32) {
    %c0_i32 = arith.constant 0 : i32
    %c0_i32_0 = arith.constant 0 : i32
    return %arg0, %c0_i32 : i32, i32
  }
  func.func @transform_1(%arg0: i32) -> (i32, i32) {
    %c0_i32 = arith.constant 0 : i32
    %c0_i32_0 = arith.constant 0 : i32
    %c0_i32_1 = arith.constant 0 : i32
    return %c0_i32, %c0_i32_0 : i32, i32
  }
  func.func @transform_2(%arg0: i32) -> (i32, i32) {
    %c0_i32 = arith.constant 0 : i32
    %c0_i32_0 = arith.constant 0 : i32
    return %arg0, %c0_i32 : i32, i32
  }
  func.func @transform_3(%arg0: i32) -> (i32, i32) {
    %c0_i32 = arith.constant 0 : i32
    %c0_i32_0 = arith.constant 0 : i32
    return %arg0, %c0_i32 : i32, i32
  }
}

module attributes {stable_mosaic.version = 14 : i64} {
  func.func @body(%arg0: i32, %arg1: memref<1000x128xf32, #tpu.memory_space<vmem>>, %arg2: memref<1000x128xf32, #tpu.memory_space<vmem>>, %arg3: memref<1000x32xf32, #tpu.memory_space<vmem>>, %arg4: memref<1x128xf32, #tpu.memory_space<vmem>>, %arg5: memref<1000x128xf32, #tpu.memory_space<vmem>>) attributes {dimension_semantics = [#tpu.dimension_semantics<arbitrary>], iteration_bounds = array<i64: 10>, scalar_prefetch = 0 : i64, scratch_operands = 0 : i64, tpu.core_type = #tpu.core_type<tc>, window_params = [{transform_indices = @transform_0, window_bounds = array<i64: 1000, 128>}, {transform_indices = @transform_1, window_bounds = array<i64: 1000, 128>}, {transform_indices = @transform_2, window_bounds = array<i64: 1000, 32>}, {pipeline_mode = #tpu.pipeline_mode<synchronous>, transform_indices = @transform_3, window_bounds = array<i64: 1, 128>}, {transform_indices = @transform_4, window_bounds = array<i64: 1000, 128>}]} {
    %get3A = arith.constant 0 : index
    %get3A_0 = arith.constant 0 : index
    %get3A_1 = vector.load %arg3[%get3A, %get3A_0] : memref<1000x32xf32, #tpu.memory_space<vmem>>, vector<1000x32xf32>
    %reduce_sum3A = arith.constant dense<0.000000e+00> : vector<1000xf32>
    %reduce_sum3A_2 = vector.multi_reduction <add>, %get3A_1, %reduce_sum3A [1] : vector<1000x32xf32> to vector<1000xf32>
    %broadcast_in_dim3A = vector.shape_cast %reduce_sum3A_2 : vector<1000xf32> to vector<1000x1xf32>
    %add3A = arith.constant 1.000000e+00 : f32
    %add3A_3 = vector.broadcast %add3A : f32 to vector<1000x1xf32>
    %add3A_4 = arith.addf %broadcast_in_dim3A, %add3A_3 : vector<1000x1xf32>
    %rsqrt3A = math.rsqrt %add3A_4 : vector<1000x1xf32>
    %get3A_5 = arith.constant 0 : index
    %get3A_6 = arith.constant 0 : index
    %get3A_7 = vector.load %arg1[%get3A_5, %get3A_6] : memref<1000x128xf32, #tpu.memory_space<vmem>>, vector<1000x128xf32>
    %get3A_8 = arith.constant 0 : index
    %get3A_9 = arith.constant 0 : index
    %get3A_10 = vector.load %arg2[%get3A_8, %get3A_9] : memref<1000x128xf32, #tpu.memory_space<vmem>>, vector<1000x128xf32>
    %add3A_11 = arith.addf %get3A_7, %get3A_10 : vector<1000x128xf32>
    %mul3A = vector.broadcast %rsqrt3A : vector<1000x1xf32> to vector<1000x128xf32>
    %mul3A_12 = arith.mulf %add3A_11, %mul3A : vector<1000x128xf32>
    %get3A_13 = arith.constant 0 : index
    %get3A_14 = arith.constant 0 : index
    %get3A_15 = vector.load %arg4[%get3A_13, %get3A_14] : memref<1x128xf32, #tpu.memory_space<vmem>>, vector<1x128xf32>
    %add3A_16 = vector.broadcast %get3A_15 : vector<1x128xf32> to vector<1000x128xf32>
    %add3A_17 = arith.addf %mul3A_12, %add3A_16 : vector<1000x128xf32>
    %swap3A = arith.constant 0 : index
    %swap3A_18 = arith.constant 0 : index
    %swap3A_19 = vector.load %arg5[%swap3A, %swap3A_18] : memref<1000x128xf32, #tpu.memory_space<vmem>>, vector<1000x128xf32>
    tpu.vector_store %arg5[%swap3A, %swap3A_18], %add3A_17 {strides = array<i32>} : memref<1000x128xf32, #tpu.memory_space<vmem>>, vector<1000x128xf32>,
    return
  }
  func.func @transform_0(%arg0: i32) -> (i32, i32) {
    %c0_i32 = arith.constant 0 : i32
    %c0_i32_0 = arith.constant 0 : i32
    return %arg0, %c0_i32 : i32, i32
  }
  func.func @transform_1(%arg0: i32) -> (i32, i32) {
    %c0_i32 = arith.constant 0 : i32
    %c0_i32_0 = arith.constant 0 : i32
    return %arg0, %c0_i32 : i32, i32
  }
  func.func @transform_2(%arg0: i32) -> (i32, i32) {
    %c0_i32 = arith.constant 0 : i32
    %c0_i32_0 = arith.constant 0 : i32
    return %arg0, %c0_i32 : i32, i32
  }
  func.func @transform_3(%arg0: i32) -> (i32, i32) {
    %c0_i32 = arith.constant 0 : i32
    %c0_i32_0 = arith.constant 0 : i32
    %c0_i32_1 = arith.constant 0 : i32
    return %c0_i32, %c0_i32_0 : i32, i32
  }
  func.func @transform_4(%arg0: i32) -> (i32, i32) {
    %c0_i32 = arith.constant 0 : i32
    %c0_i32_0 = arith.constant 0 : i32
    return %arg0, %c0_i32 : i32, i32
  }
}

</mosaic_0001>

<sc_bundles>
// kernel: kernel.10.cloned.1.call-start
scs
__scs_entry_jumppad:
0x0: {  	(pc) =	sbr.rel $0x88, $3  }
0x1: {  	(tag) =	ssettag $0x0;
	lr =	simm.s32 $0x1  }
0x2: {  	[smem:$0x3F9D] =	sst lr;
	_ =	strace $0xD0000000  }
0x3: {  	_ = 	snop  }
0x4: {  	_ = 	snop  }
0x5: {  	_ = 	snop  }
0x6: {  	_ = 	snop  }
0x7: {  	_ = 	snop  }
__scs_overlays_trampoline_lowered:
0x8: {  	[smem:$0x3FAC] =	sst s0  }
0x9: {  	[smem:$0x3FAD] =	sst s1  }
0xa: {  	[smem:$0x3FAE] =	sst s2  }
0xb: {  	[smem:$0x3FAF] =	sst s3  }
0xc: {  	[smem:$0x3FB0] =	sst s4  }
0xd: {  	[smem:$0x3FB1] =	sst s5  }
0xe: {  	[smem:$0x3FB2] =	sst s6  }
0xf: {  	[smem:$0x3FB3] =	sst s7  }
0x10: {  	[smem:$0x3FB4] =	sst s8  }
0x11: {  	[smem:$0x3FB5] =	sst s9;
	s0 =	simm.s32 @!p0 $0x0  }
0x12: {  	s1 =	sld [smem:$0x3F9B];
	s0 =	simm.s32 @p0 $0x1  }
0x13: {  	[smem:$0x3FB6] =	sst s0;
	s0 =	simm.s32 @!p1 $0x0  }
0x14: {  	s2 =	sld [smem:$0x3F9A];
	s0 =	simm.s32 @p1 $0x1  }
0x15: {  	[smem:$0x3FB7] =	sst s0;
	s0 =	simm.s32 @!p2 $0x0  }
0x16: {  	s3 =	sld [smem:$0x3FDB];
	s0 =	simm.s32 @p2 $0x1  }
0x17: {  	s4 =	simm.s32 $0x1BF5;
	[smem:$0x3FB9] =	sst s0  }
0x18: {  	s0 =	sld [smem:$0x3F9C];
	_ =	swait.ge [sflag:s4], $0x0  }
0x19: {  	s7 =	sld [smem:$0x3F9D]  }
0x1a: {  	s8 =	sadd.s32 $0xFFFFE003, lr  }
0x1b: {  	s9 =	sadd.s32 $0xFFFFFEF7, lr;
	s5 =	simm.s32 $0xFFFFFFFF;
	p2 =	slt.u32 s8, $0xFFFFF086  }
0x1c: {  	p1 =	slt.u32 s9, $0xF7A;
	s5 =	simm.s32 @!p2 $0x0  }
0x1d: {  	s5 =	simm.s32 @p1 $0x1;
	p0 =	seq.s32 s7, s2  }
0x1e: {  	s7 =	smul.u32 @!p0 $0xF7A, s2;
	p2 =	seq.s32 @!p0 s5, $0x0  }
0x1f: {  	s9 =	smul.u32 $0xF7A, s1;
	s8 =	simm.s32 @!p0 $0x1BF5;
	p2 =	por !p2, p0  }
0x20: {  	[sflag:s8] =	ssyncset.s32 @!p0 $0xFFFFF086;
	s6 =	sadd.s32 @!p0 s3, s7;
	s7 =	simm.s32 @!p0 $0x108  }
0x21: {  	s3 =	sadd.s32 s3, s9;
	s6 =	sadd.s32 @!p0 $0x88, s6;
	s7 =	simm.s32 @p2 $0x1082  }
0x22: {  	[simem:s7], [sflag:s8] =	dma.local @!p0 [hbm:s6], $0xF7A  }
0x23: {  	s9 =	sor.u32 $0xD0000000, s2;
	s6 =	simm.s32 $0x108;
	_ =	swait.ge @!p0 [sflag:s8], $0x0  }
0x24: {  	s3 =	sadd.s32 $0x88, s3;
	s6 =	simm.s32 @!p1 $0x1082;
	[sflag:s4] =	ssyncset.s32 $0xFFFFF086  }
0x25: {  	[simem:s6], [sflag:s4] =	dma.local [hbm:s3], $0xF7A  }
0x26: {  	[smem:$0x3F9D] =	sst s1;
	(tag) =	ssettag s2;
	_ =	strace s9  }
0x27: {  	s1 =	sld [smem:$0x3FAD]  }
0x28: {  	s2 =	sld [smem:$0x3FAE]  }
0x29: {  	s4 =	sld [smem:$0x3FB0]  }
0x2a: {  	p0 =	seq.s32 s5, $0x0;
	s5 =	sld [smem:$0x3FB1]  }
0x2b: {  	s6 =	sld [smem:$0x3FB2]  }
0x2c: {  	s7 =	sld [smem:$0x3FB3]  }
0x2d: {  	s3 =	simm.s32 $0x108;
	s8 =	sld [smem:$0x3FB4]  }
0x2e: {  	s3 =	simm.s32 @!p0 $0x1082;
	s9 =	sld [smem:$0x3FB5]  }
0x2f: {  	lr =	sadd.s32 s0, s3;
	s0 =	sld [smem:$0x3FAC]  }
0x30: {  	s3 =	sld [smem:$0x3FAF]  }
0x31: {  	[smem:$0x3FB8] =	sst s10  }
0x32: {  	s10 =	sld [smem:$0x3FB6];
	_ =	sdelay $0x3  }
0x33: {  	p0 =	seq.s32 s10, $0x1;
	s10 =	sld [smem:$0x3FB8];
	_ =	sdelay $0x3  }
0x34: {  	[smem:$0x3FB8] =	sst s10  }
0x35: {  	s10 =	sld [smem:$0x3FB7];
	_ =	sdelay $0x3  }
0x36: {  	p1 =	seq.s32 s10, $0x1;
	s10 =	sld [smem:$0x3FB8];
	_ =	sdelay $0x3  }
0x37: {  	[smem:$0x3FB8] =	sst s10  }
0x38: {  	s10 =	sld [smem:$0x3FB9]  }
0x39: {  	_ = 	snop;
	(pc) =	sbr.ind lr, $3  }
0x3a: {  	_ = 	snop  }
0x3b: {  	_ = 	snop  }
0x3c: {  	p2 =	seq.s32 s10, $0x1;
	s10 =	sld [smem:$0x3FB8]  }
0x3d: {  	_ =	shalt  }
0x3e: {  	_ =	shalt  }
0x3f: {  	_ =	shalt  }
0x40: {  	_ =	shalt  }
0x41: {  	_ =	shalt  }
0x42: {  	_ =	shalt  }
0x43: {  	_ =	shalt  }
0x44: {  	_ =	shalt  }
0x45: {  	_ =	shalt  }
0x46: {  	_ =	shalt  }
0x47: {  	_ =	shalt  }
0x48: {  	_ =	shalt  }
0x49: {  	_ =	shalt  }
0x4a: {  	_ =	shalt  }
0x4b: {  	_ =	shalt  }
0x4c: {  	_ =	shalt  }
0x4d: {  	_ =	shalt  }
0x4e: {  	_ =	shalt  }
0x4f: {  	_ =	shalt  }
0x50: {  	_ =	shalt  }
0x51: {  	_ =	shalt  }
0x52: {  	_ =	shalt  }
0x53: {  	_ =	shalt  }
0x54: {  	_ =	shalt  }
0x55: {  	_ =	shalt  }
0x56: {  	_ =	shalt  }
0x57: {  	_ =	shalt  }
0x58: {  	_ =	shalt  }
0x59: {  	_ =	shalt  }
0x5a: {  	_ =	shalt  }
0x5b: {  	_ =	shalt  }
0x5c: {  	_ =	shalt  }
0x5d: {  	_ =	shalt  }
0x5e: {  	_ =	shalt  }
0x5f: {  	_ =	shalt  }
0x60: {  	_ =	shalt  }
0x61: {  	_ =	shalt  }
0x62: {  	_ =	shalt  }
0x63: {  	_ =	shalt  }
0x64: {  	_ =	shalt  }
0x65: {  	_ =	shalt  }
0x66: {  	_ =	shalt  }
0x67: {  	_ =	shalt  }
0x68: {  	_ =	shalt  }
0x69: {  	_ =	shalt  }
0x6a: {  	_ =	shalt  }
0x6b: {  	_ =	shalt  }
0x6c: {  	_ =	shalt  }
0x6d: {  	_ =	shalt  }
0x6e: {  	_ =	shalt  }
0x6f: {  	_ =	shalt  }
0x70: {  	_ =	shalt  }
0x71: {  	_ =	shalt  }
0x72: {  	_ =	shalt  }
0x73: {  	_ =	shalt  }
0x74: {  	_ =	shalt  }
0x75: {  	_ =	shalt  }
0x76: {  	_ =	shalt  }
0x77: {  	_ =	shalt  }
0x78: {  	_ =	shalt  }
0x79: {  	_ =	shalt  }
0x7a: {  	_ =	shalt  }
0x7b: {  	_ =	shalt  }
0x7c: {  	_ =	shalt  }
0x7d: {  	_ =	shalt  }
0x7e: {  	_ =	shalt  }
0x7f: {  	_ =	shalt  }
0x80: {  	_ =	shalt  }
0x81: {  	_ =	shalt  }
0x82: {  	_ =	shalt  }
0x83: {  	_ =	shalt  }
0x84: {  	_ =	shalt  }
0x85: {  	_ =	shalt  }
0x86: {  	_ =	shalt  }
0x87: {  	_ =	shalt  }
.Lfunc_end0:
.L_simem_size_0:
called_computation.1_lowered:
.L_overlay_start_0:
0x88: {  	s2 =	sld [smem:$0x3FD9]  }
0x89: {  	s3 =	sld [smem:$0x3FFE];
	_ =	sdelay $0x1  }
0x8a: {  	s1 =	srdreg.scid  }
0x8b: {  	s0 =	sand.u32 $0x1, s1  }
0x8c: {  	s17 =	sshll.u32 s0, $0xA;
	s2 =	sadd.s32 s3, s2  }
0x8d: {  	s2 =	sadd.s32 s2, s17  }
0x8e: {  	[smem:$0x3FC4] =	sst s2  }
0x8f: {  	_ = 	snop  }
0x90: {  	s2 =	sld [smem:$0x3FD0];
	(tm) =	ssettm $0x1  }
0x91: {  	s18 =	sld [smem:$0x3FFB];
	_ =	sdelay $0x3  }
0x92: {  	_ =	strace s18  }
0x93: {  	s3 =	sld [smem:$0x3FFC];
	_ =	sdelay $0x3  }
0x94: {  	_ =	strace s3  }
0x95: {  	s3 =	sld [smem:$0x3FFD];
	_ =	sdelay $0x3  }
0x96: {  	_ =	strace s3  }
0x97: {  	_ =	strace $0x8FFFFFFF  }
0x98: {  	s19 =	sld [smem:$0x3FDB];
	_ =	sdelay $0x1  }
0x99: {  	s4 =	simm.s32 $_scs_section_size  }
0x9a: {  	s5 =	simm.s32 $_size__tile_overlayer_lowered;
	s6 =	simm.s32 $_tile_overlayer_lowered  }
0x9b: {  	s22 =	simm.s32 $0x1BFF;
	s21 =	sshll.u32 s6, $0x1;
	s3 =	sadd.s32 s4, s19  }
0x9c: {  	s7 =	simm.s32 $0x0;
	s20 =	sshll.u32 s5, $0x1;
	s5 =	sadd.s32 s21, s3  }
0x9d: {  	[timem:s7], [sflag:s22] =	dma.local [hbm:s5], s20  }
0x9e: {  	_ =	swait.ge [sflag:s22], s20  }
0x9f: {  	s4 =	ssub.s32 $0x0, s20;
	[sflag:s22] =	ssyncset.done $0x0  }
0xa0: {  	[sflag:s22] =	ssyncadd.s32 s4;
	_ =	sdelay $0x1  }
0xa1: {  	s23 =	simm.s32 $0x1B8B  }
0xa2: {  	_ =	swait.ge [sflag:s23], $0x1  }
0xa3: {  	[sflag:s23] =	ssyncset.done $0x0  }
0xa4: {  	s25 =	simm.s32 $0x1B8E;
	s24 =	sld [smem:$0x3FFE];
	[sflag:s23] =	ssyncadd.s32 $0xFFFFFFFF  }
0xa5: {  	s26 =	simm.s32 $execute0_lowered;
	[smem:$0x3FD2] =	sst s25  }
0xa6: {  	s5 =	sshll.u32 s26, $0x1;
	_ =	strace $0x80000049;
	[dreg:$0x1] =	wrdreg $0xFFFFFFFF  }
0xa7: {  	s28 =	simm.s32 $_size_execute0_lowered;
	s3 =	sadd.s32 s3, s5;
	[dreg:$0x0] =	wrdreg $0x0  }
0xa8: {  	s5 =	sshll.u32 s28, $0x1;
	[dreg:$0x2] =	wrdreg s3  }
0xa9: {  	[dreg:$0x3] =	wrdreg s5  }
0xaa: {  	[dreg:$0x4] =	wrdreg $0xC0  }
0xab: {  	_ =	task [dreg:s7], $0x5FFFF  }
0xac: {  	[dreg:$0x1] =	wrdreg $0xFFFFFFFF  }
0xad: {  	[dreg:$0x0] =	wrdreg $0x60  }
0xae: {  	[dreg:$0x2] =	wrdreg s2  }
0xaf: {  	[dreg:$0x3] =	wrdreg s24  }
0xb0: {  	[dreg:$0x4] =	wrdreg $0xA8000  }
0xb1: {  	[dreg:$0x5] =	wrdreg $0x9  }
0xb2: {  	_ =	task.clear_ibuf [dreg:s7], $0x6FFFF;
	_ =	strace $0x90000049  }
0xb3: {  	s29 =	simm.s32 $0x9;
	_ =	strace $0x8000004B  }
0xb4: {  	_ =	swait.ge [sflag:s29], $0x1  }
0xb5: {  	[sflag:s29] =	ssyncadd.s32 $0xFFFFFFFF  }
0xb6: {  	_ =	strace $0x9000004B  }
0xb7: {  	_ =	sfence  }
0xb8: {  	s30 =	sld [smem:$0x0];
	_ =	sdelay $0x2  }
0xb9: {  	s31 =	sshll.u32 s1, $0xD;
	s1 =	sshrl.u32 s1, $0x2  }
0xba: {  	s3 =	sand.u32 $0x4000, s31;
	s1 =	sadd.s32 s1, s30  }
0xbb: {  	s0 =	sor.u32 s3, s0;
	s1 =	sshll.u32 s1, $0x11  }
0xbc: {  	s0 =	sor.u32 s1, s0  }
0xbd: {  	s0 =	sadd.s32 $0x8F2B, s0  }
0xbe: {  	[sflag:s0] =	ssyncadd.remote.s32 $0x1  }
0xbf: {  	_ =	sfence.sel $0xFFFF  }
0xc0: {  	[dreg:$0x0] =	wrdreg $0xFFFFFFFF;
	(pc) =	sbr.abs _section_cstart, $3  }
0xc1: {  	[dreg:$0x1] =	wrdreg $0xFFFFFFFF  }
0xc2: {  	_ =	task.clear_ibuf [dreg:s7], $0x2FFFF;
	_ =	strace $0x9FFFFFFF  }
0xc3: {  	(tm) =	ssettm $0x7FFFFFFF  }
tec
execute0_lowered:
.L_overlay_start_1:
0x0: {  	(tag) =	ssettag $0x1  }
0x1: {  	s1 =	rddreg [dreg:$0x0]  }
0x2: {  	s7 =	rddreg [dreg:$0x1]  }
0x3: {  	s3 =	rddreg [dreg:$0x2]  }
0x4: {  	s0 =	rddreg [dreg:$0x3]  }
0x5: {  	s4 =	simm.s32 $0x0;
	s2 =	stileid.u32;
	s5 =	srdreg.scid  }
0x6: {  	s13 =	simm.s32 $0x3;
	s14 =	simm.s32 $0x1400;
	s15 =	simm.s32 $0x80  }
0x7: {  	s16 =	simm.s32 $0x2800;
	s17 =	simm.s32 $0x1;
	s18 =	simm.s32 $0x6800  }
0x8: {  	s19 =	simm.s32 $0x2;
	s20 =	simm.s32 $0x1380;
	s21 =	simm.s32 $0x2700  }
0x9: {  	s22 =	simm.s32 $0x2780;
	s23 =	simm.s32 $0x0;
	[smem:$0x7FF] =	sst s4  }
0xa: {  	s11 =	sand.u32 $0x1, s5;
	s8 =	smul.u32 $0x4F000, s2;
	s5 =	sadd.s32 $0x1200, s7  }
0xb: {  	s9 =	smul.u32 $0x2780, s2;
	s6 =	sadd.s32 $0x15600, s7;
	s31 =	sshll.u32 s2, $0x6  }
.Ltmp0:
0xc: {  	_ =	strace $0x8000004A;
	s10 =	ssub.s32 $0x2, s11;
	(pc) =	sbr.rel .LBB2_1-.Ltmp0, $4  }
0xd: {  	p0 =	seq.s32 s11, $0x0;
	s11 =	sor.u32 $0x1C03, s31;
	s12 =	sshrl.u32 s10, $0x1  }
0xe: {  	s8 =	sshrl.u32 s8, $0x2;
	s9 =	sadd.s32 s9, s7;
	s10 =	ssub.s32 s10, s12  }
0xf: {  	s30 =	sadd.s32 s8, s3;
	s7 =	sadd.s32 $0x1F600, s9;
	s8 =	smul.u32 $0x5000, s2  }
0x10: {  	s9 =	sadd.s32 $0x46E00, s9;
	s10 =	smax.u32 s10, $0x1;
	s12 =	sshrl.u32 s30, $0x3  }
.LBB2_2:
0x11: {  	[bflag:$0x0] =	sbarrier.arrive $0xFFFF  }
0x12: {  	[bflag:$0x0] =	sbarrier.arrive $0xFFFF  }
.LBB2_8:
0x13: {  	s4 =	sadd.s32 $0x1, s4  }
0x14: {  	p1 =	sne.s32 s4, s10  }
.Ltmp1:
0x15: {  	_ = 	snop;
	(pc) =	sbr.rel @!p1 .LBB2_9-.Ltmp1, $1  }
0x16: {  	_ =	sdelay $0x3  }
.LBB2_1:
.Ltmp2:
0x17: {  	(pc) =	sbr.rel @!p0 .LBB2_2-.Ltmp2, $1  }
0x18: {  	_ =	sdelay $0x3  }
0x19: {  	[spmem:s12], [sflag:s11] =	dma.local [hbm:s7], $0x2780  }
0x1a: {  	_ =	swait.ge [sflag:s13], $0x2780  }
0x1b: {  	[sflag:s13] =	ssyncset.done $0x0  }
0x1c: {  	[sflag:s13] =	ssyncadd.s32 $0xFFFFD880  }
0x1d: {  	s24 =	simm.s32 $0x0;
	[bflag:$0x0] =	sbarrier.arrive $0xFFFF  }
.LBB2_4:
0x1e: {  	s25 =	smul.u32 $0x1400, s24;
	_ =	sdelay $0x1  }
0x1f: {  	s25 =	sadd.s32 s8, s25  }
0x20: {  	s25 =	sshrl.u32 s25, $0x3  }
0x21: {  	s26 =	sadd.s32 s5, s25  }
0x22: {  	[tilespmem:s23], [sflag:$0x3] =	stream.linear.gather [hbm4b:s26+s23], $0x1400, $0x38;
	[tilespmem:$0x1E400] =	vst v63  }
0x23: {  	_ =	swait.ge [sflag:s13], $0x1400  }
0x24: {  	[sflag:s13] =	ssyncset.done $0x0  }
0x25: {  	s25 =	sadd.s32 s6, s25;
	[sflag:s13] =	ssyncadd.s32 $0xFFFFEC00  }
0x26: {  	[tilespmem:s14], [sflag:$0x3] =	stream.linear.gather [hbm4b:s25+s23], $0x1400, $0x38;
	[tilespmem:$0x1E400] =	vst v63  }
0x27: {  	_ =	swait.ge [sflag:s13], $0x1400  }
0x28: {  	[sflag:s13] =	ssyncset.done $0x0  }
0x29: {  	[sflag:s13] =	ssyncadd.s32 $0xFFFFEC00  }
0x2a: {  	[tilespmem:s16], [sflag:$0x1] =	stream.indirect.gather [hbm4b:s1+s15], $0x80, s23, s15, $0xb8;
	[tilespmem:$0x1E400] =	vst v63  }
0x2b: {  	_ =	swait.ge [sflag:s17], $0x4000  }
0x2c: {  	[sflag:s17] =	ssyncset.done $0x0  }
0x2d: {  	s28 =	simm.s32 $0x80;
	[sflag:s17] =	ssyncadd.s32 $0xFFFFC000  }
0x2e: {  	[tilespmem:s18], [sflag:$0x2] =	stream.indirect.gather [hbm4b:s1+s15], $0x80, s28, s15, $0xb8;
	[tilespmem:$0x1E400] =	vst v63  }
0x2f: {  	s29 =	simm.s32 $0x1400  }
0x30: {  	[spmem:s3] =	stream.indirect.scatter.add.f32 [tilespmem:s16], [sflag:$0x3], $0x80, s29, s15, $0xb8;
	[tilespmem:$0x1E400] =	vst v63  }
0x31: {  	_ =	swait.ge [sflag:s13], $0x4000  }
0x32: {  	[sflag:s13] =	ssyncset.done $0x0  }
0x33: {  	[sflag:s13] =	ssyncadd.s32 $0xFFFFC000  }
0x34: {  	_ =	swait.ge [sflag:s19], $0x4000  }
0x35: {  	[sflag:s19] =	ssyncset.done $0x0  }
0x36: {  	s30 =	simm.s32 $0x100;
	[sflag:s19] =	ssyncadd.s32 $0xFFFFC000  }
0x37: {  	[tilespmem:s16], [sflag:$0x1] =	stream.indirect.gather [hbm4b:s1+s15], $0x80, s30, s15, $0xb8;
	[tilespmem:$0x1E400] =	vst v63  }
0x38: {  	s31 =	simm.s32 $0x1480  }
0x39: {  	[spmem:s3] =	stream.indirect.scatter.add.f32 [tilespmem:s18], [sflag:$0x3], $0x80, s31, s15, $0xb8;
	[tilespmem:$0x1E400] =	vst v63  }
0x3a: {  	_ =	swait.ge [sflag:s13], $0x4000  }
0x3b: {  	s25 =	simm.s32 $0x400;
	[sflag:s13] =	ssyncset.done $0x0  }
.LBB2_5:
0x3c: {  	p1 =	sne.s32 s25, $0x4800  }
0x3d: {  	[sflag:s13] =	ssyncadd.s32 $0xFFFFC000;
	s26 =	smov.u32 s25;
	s25 =	sadd.s32 $0x400, s25  }
0x3e: {  	_ = 	snop  }
0x3f: {  	_ =	swait.ge [sflag:s17], $0x4000  }
0x40: {  	s26 =	sshra.s32 s26, $0x2;
	[sflag:s17] =	ssyncset.done $0x0  }
0x41: {  	s28 =	sadd.s32 $0x80, s26;
	[sflag:s17] =	ssyncadd.s32 $0xFFFFC000  }
0x42: {  	[tilespmem:s18], [sflag:$0x2] =	stream.indirect.gather [hbm4b:s1+s15], $0x80, s28, s15, $0xb8;
	[tilespmem:$0x1E400] =	vst v63  }
0x43: {  	s28 =	sadd.s32 $0x1400, s26  }
0x44: {  	[spmem:s3] =	stream.indirect.scatter.add.f32 [tilespmem:s16], [sflag:$0x3], $0x80, s28, s15, $0xb8;
	[tilespmem:$0x1E400] =	vst v63  }
0x45: {  	_ =	swait.ge [sflag:s13], $0x4000  }
0x46: {  	[sflag:s13] =	ssyncset.done $0x0  }
0x47: {  	[sflag:s13] =	ssyncadd.s32 $0xFFFFC000  }
0x48: {  	_ =	swait.ge [sflag:s19], $0x4000  }
0x49: {  	[sflag:s19] =	ssyncset.done $0x0  }
0x4a: {  	s28 =	sadd.s32 $0x100, s26;
	[sflag:s19] =	ssyncadd.s32 $0xFFFFC000  }
0x4b: {  	[tilespmem:s16], [sflag:$0x1] =	stream.indirect.gather [hbm4b:s1+s15], $0x80, s28, s15, $0xb8;
	[tilespmem:$0x1E400] =	vst v63  }
.Ltmp3:
0x4c: {  	_ = 	snop;
	(pc) =	sbr.rel @p1 .LBB2_5-.Ltmp3, $4  }
0x4d: {  	s26 =	sadd.s32 $0x1480, s26  }
0x4e: {  	[spmem:s3] =	stream.indirect.scatter.add.f32 [tilespmem:s18], [sflag:$0x3], $0x80, s26, s15, $0xb8;
	[tilespmem:$0x1E400] =	vst v63  }
0x4f: {  	_ =	swait.ge [sflag:s13], $0x4000  }
0x50: {  	[sflag:s13] =	ssyncset.done $0x0  }
0x51: {  	[sflag:s13] =	ssyncadd.s32 $0xFFFFC000  }
0x52: {  	_ =	swait.ge [sflag:s17], $0x4000  }
0x53: {  	[sflag:s17] =	ssyncset.done $0x0  }
0x54: {  	[sflag:s17] =	ssyncadd.s32 $0xFFFFC000  }
0x55: {  	[tilespmem:s18], [sflag:$0x2] =	stream.indirect.gather [hbm4b:s1+s15], $0x80, s20, s15, $0xb8;
	[tilespmem:$0x1E400] =	vst v63  }
0x56: {  	_ = 	snop  }
0x57: {  	[spmem:s3] =	stream.indirect.scatter.add.f32 [tilespmem:s16], [sflag:$0x3], $0x80, s21, s15, $0xb8;
	[tilespmem:$0x1E400] =	vst v63  }
0x58: {  	_ =	swait.ge [sflag:s13], $0x4000  }
0x59: {  	[sflag:s13] =	ssyncset.done $0x0  }
0x5a: {  	[sflag:s13] =	ssyncadd.s32 $0xFFFFC000  }
0x5b: {  	s24 =	sadd.s32 $0x1, s24;
	_ =	swait.ge [sflag:s19], $0x4000  }
0x5c: {  	p1 =	sne.s32 s24, $0x4;
	[sflag:s19] =	ssyncset.done $0x0  }
.Ltmp4:
0x5d: {  	[sflag:s19] =	ssyncadd.s32 $0xFFFFC000;
	(pc) =	sbr.rel @p1 .LBB2_4-.Ltmp4, $4  }
0x5e: {  	[spmem:s3] =	stream.indirect.scatter.add.f32 [tilespmem:s18], [sflag:$0x3], $0x80, s22, s15, $0xb8;
	[tilespmem:$0x1E400] =	vst v63  }
0x5f: {  	_ =	swait.ge [sflag:s13], $0x4000  }
0x60: {  	[sflag:s13] =	ssyncset.done $0x0  }
0x61: {  	[sflag:s13] =	ssyncadd.s32 $0xFFFFC000  }
.Ltmp5:
0x62: {  	[bflag:$0x0] =	sbarrier.arrive $0xFFFF;
	(pc) =	sbr.rel .LBB2_8-.Ltmp5, $4  }
0x63: {  	[hbm:s9], [sflag:s11] =	dma.local [spmem:s12], $0x2780  }
0x64: {  	_ =	swait.ge [sflag:s13], $0x2780  }
0x65: {  	[sflag:s13] =	ssyncset.done $0x0  }
0x66: {  	[sflag:s13] =	ssyncadd.s32 $0xFFFFD880  }
.LBB2_9:
0x67: {  	_ =	sfence.sel $0x180000  }
0x68: {  	[bflag:$0x0] =	sbarrier.arrive $0xFFFF  }
0x69: {  	p0 =	sne.s32 s2, $0x0;
	_ =	strace $0x9000004A  }
0x6a: {  	s0 =	sadd.s32 @!p0 $0x100000, s0;
	[bflag:$0x2] =	sbarrier.arrive $0xFFFF  }
0x6b: {  	[sflag:s0] =	ssyncadd.tile.s32 @!p0 $0x1;
	_ =	shalt  }
.Lfunc_end2:
_tile_overlayer_lowered:
.L_overlay_start_2:
0x6c: {  	(tag) =	ssettag $0x2  }
0x6d: {  	s0 =	rddreg [dreg:$0x0];
	s2 =	stileid.u32  }
0x6e: {  	s1 =	rddreg [dreg:$0x1];
	p0 =	sne.s32 s2, $0x0  }
0x6f: {  	s3 =	rddreg [dreg:$0x2];
	[bflag:$0x3] =	sbarrier.arrive $0xFFFF;
	s2 =	simm.s32 @!p0 $0x1C03  }
0x70: {  	[timem:s3], [sflag:s2] =	dma.local @!p0 [hbm:s0], s1  }
0x71: {  	s0 =	simm.s32 @!p0 $0x3  }
0x72: {  	_ =	swait.ge @!p0 [sflag:s0], s1  }
0x73: {  	s1 =	ssub.s32 @!p0 $0x0, s1;
	[sflag:s0] =	ssyncset.done @!p0 $0x0  }
0x74: {  	[sflag:s0] =	ssyncadd.s32 @!p0 s1  }
0x75: {  	[bflag:$0x3] =	sbarrier.arrive $0xFFFF  }
0x76: {  	_ =	shalt  }

// kernel: kernel.7.cloned.1.call-start
scs
__scs_entry_jumppad:
0x0: {  	(pc) =	sbr.rel $0x88, $3  }
0x1: {  	(tag) =	ssettag $0x0;
	lr =	simm.s32 $0x1  }
0x2: {  	[smem:$0x3F9D] =	sst lr;
	_ =	strace $0xD0000000  }
0x3: {  	_ = 	snop  }
0x4: {  	_ = 	snop  }
0x5: {  	_ = 	snop  }
0x6: {  	_ = 	snop  }
0x7: {  	_ = 	snop  }
__scs_overlays_trampoline_lowered:
0x8: {  	[smem:$0x3FAC] =	sst s0  }
0x9: {  	[smem:$0x3FAD] =	sst s1  }
0xa: {  	[smem:$0x3FAE] =	sst s2  }
0xb: {  	[smem:$0x3FAF] =	sst s3  }
0xc: {  	[smem:$0x3FB0] =	sst s4  }
0xd: {  	[smem:$0x3FB1] =	sst s5  }
0xe: {  	[smem:$0x3FB2] =	sst s6  }
0xf: {  	[smem:$0x3FB3] =	sst s7  }
0x10: {  	[smem:$0x3FB4] =	sst s8  }
0x11: {  	[smem:$0x3FB5] =	sst s9;
	s0 =	simm.s32 @!p0 $0x0  }
0x12: {  	s1 =	sld [smem:$0x3F9B];
	s0 =	simm.s32 @p0 $0x1  }
0x13: {  	[smem:$0x3FB6] =	sst s0;
	s0 =	simm.s32 @!p1 $0x0  }
0x14: {  	s2 =	sld [smem:$0x3F9A];
	s0 =	simm.s32 @p1 $0x1  }
0x15: {  	[smem:$0x3FB7] =	sst s0;
	s0 =	simm.s32 @!p2 $0x0  }
0x16: {  	s3 =	sld [smem:$0x3FDB];
	s0 =	simm.s32 @p2 $0x1  }
0x17: {  	s4 =	simm.s32 $0x1BF5;
	[smem:$0x3FB9] =	sst s0  }
0x18: {  	s0 =	sld [smem:$0x3F9C];
	_ =	swait.ge [sflag:s4], $0x0  }
0x19: {  	s7 =	sld [smem:$0x3F9D]  }
0x1a: {  	s8 =	sadd.s32 $0xFFFFE003, lr  }
0x1b: {  	s9 =	sadd.s32 $0xFFFFFEF7, lr;
	s5 =	simm.s32 $0xFFFFFFFF;
	p2 =	slt.u32 s8, $0xFFFFF086  }
0x1c: {  	p1 =	slt.u32 s9, $0xF7A;
	s5 =	simm.s32 @!p2 $0x0  }
0x1d: {  	s5 =	simm.s32 @p1 $0x1;
	p0 =	seq.s32 s7, s2  }
0x1e: {  	s7 =	smul.u32 @!p0 $0xF7A, s2;
	p2 =	seq.s32 @!p0 s5, $0x0  }
0x1f: {  	s9 =	smul.u32 $0xF7A, s1;
	s8 =	simm.s32 @!p0 $0x1BF5;
	p2 =	por !p2, p0  }
0x20: {  	[sflag:s8] =	ssyncset.s32 @!p0 $0xFFFFF086;
	s6 =	sadd.s32 @!p0 s3, s7;
	s7 =	simm.s32 @!p0 $0x108  }
0x21: {  	s3 =	sadd.s32 s3, s9;
	s6 =	sadd.s32 @!p0 $0x88, s6;
	s7 =	simm.s32 @p2 $0x1082  }
0x22: {  	[simem:s7], [sflag:s8] =	dma.local @!p0 [hbm:s6], $0xF7A  }
0x23: {  	s9 =	sor.u32 $0xD0000000, s2;
	s6 =	simm.s32 $0x108;
	_ =	swait.ge @!p0 [sflag:s8], $0x0  }
0x24: {  	s3 =	sadd.s32 $0x88, s3;
	s6 =	simm.s32 @!p1 $0x1082;
	[sflag:s4] =	ssyncset.s32 $0xFFFFF086  }
0x25: {  	[simem:s6], [sflag:s4] =	dma.local [hbm:s3], $0xF7A  }
0x26: {  	[smem:$0x3F9D] =	sst s1;
	(tag) =	ssettag s2;
	_ =	strace s9  }
0x27: {  	s1 =	sld [smem:$0x3FAD]  }
0x28: {  	s2 =	sld [smem:$0x3FAE]  }
0x29: {  	s4 =	sld [smem:$0x3FB0]  }
0x2a: {  	p0 =	seq.s32 s5, $0x0;
	s5 =	sld [smem:$0x3FB1]  }
0x2b: {  	s6 =	sld [smem:$0x3FB2]  }
0x2c: {  	s7 =	sld [smem:$0x3FB3]  }
0x2d: {  	s3 =	simm.s32 $0x108;
	s8 =	sld [smem:$0x3FB4]  }
0x2e: {  	s3 =	simm.s32 @!p0 $0x1082;
	s9 =	sld [smem:$0x3FB5]  }
0x2f: {  	lr =	sadd.s32 s0, s3;
	s0 =	sld [smem:$0x3FAC]  }
0x30: {  	s3 =	sld [smem:$0x3FAF]  }
0x31: {  	[smem:$0x3FB8] =	sst s10  }
0x32: {  	s10 =	sld [smem:$0x3FB6];
	_ =	sdelay $0x3  }
0x33: {  	p0 =	seq.s32 s10, $0x1;
	s10 =	sld [smem:$0x3FB8];
	_ =	sdelay $0x3  }
0x34: {  	[smem:$0x3FB8] =	sst s10  }
0x35: {  	s10 =	sld [smem:$0x3FB7];
	_ =	sdelay $0x3  }
0x36: {  	p1 =	seq.s32 s10, $0x1;
	s10 =	sld [smem:$0x3FB8];
	_ =	sdelay $0x3  }
0x37: {  	[smem:$0x3FB8] =	sst s10  }
0x38: {  	s10 =	sld [smem:$0x3FB9]  }
0x39: {  	_ = 	snop;
	(pc) =	sbr.ind lr, $3  }
0x3a: {  	_ = 	snop  }
0x3b: {  	_ = 	snop  }
0x3c: {  	p2 =	seq.s32 s10, $0x1;
	s10 =	sld [smem:$0x3FB8]  }
0x3d: {  	_ =	shalt  }
0x3e: {  	_ =	shalt  }
0x3f: {  	_ =	shalt  }
0x40: {  	_ =	shalt  }
0x41: {  	_ =	shalt  }
0x42: {  	_ =	shalt  }
0x43: {  	_ =	shalt  }
0x44: {  	_ =	shalt  }
0x45: {  	_ =	shalt  }
0x46: {  	_ =	shalt  }
0x47: {  	_ =	shalt  }
0x48: {  	_ =	shalt  }
0x49: {  	_ =	shalt  }
0x4a: {  	_ =	shalt  }
0x4b: {  	_ =	shalt  }
0x4c: {  	_ =	shalt  }
0x4d: {  	_ =	shalt  }
0x4e: {  	_ =	shalt  }
0x4f: {  	_ =	shalt  }
0x50: {  	_ =	shalt  }
0x51: {  	_ =	shalt  }
0x52: {  	_ =	shalt  }
0x53: {  	_ =	shalt  }
0x54: {  	_ =	shalt  }
0x55: {  	_ =	shalt  }
0x56: {  	_ =	shalt  }
0x57: {  	_ =	shalt  }
0x58: {  	_ =	shalt  }
0x59: {  	_ =	shalt  }
0x5a: {  	_ =	shalt  }
0x5b: {  	_ =	shalt  }
0x5c: {  	_ =	shalt  }
0x5d: {  	_ =	shalt  }
0x5e: {  	_ =	shalt  }
0x5f: {  	_ =	shalt  }
0x60: {  	_ =	shalt  }
0x61: {  	_ =	shalt  }
0x62: {  	_ =	shalt  }
0x63: {  	_ =	shalt  }
0x64: {  	_ =	shalt  }
0x65: {  	_ =	shalt  }
0x66: {  	_ =	shalt  }
0x67: {  	_ =	shalt  }
0x68: {  	_ =	shalt  }
0x69: {  	_ =	shalt  }
0x6a: {  	_ =	shalt  }
0x6b: {  	_ =	shalt  }
0x6c: {  	_ =	shalt  }
0x6d: {  	_ =	shalt  }
0x6e: {  	_ =	shalt  }
0x6f: {  	_ =	shalt  }
0x70: {  	_ =	shalt  }
0x71: {  	_ =	shalt  }
0x72: {  	_ =	shalt  }
0x73: {  	_ =	shalt  }
0x74: {  	_ =	shalt  }
0x75: {  	_ =	shalt  }
0x76: {  	_ =	shalt  }
0x77: {  	_ =	shalt  }
0x78: {  	_ =	shalt  }
0x79: {  	_ =	shalt  }
0x7a: {  	_ =	shalt  }
0x7b: {  	_ =	shalt  }
0x7c: {  	_ =	shalt  }
0x7d: {  	_ =	shalt  }
0x7e: {  	_ =	shalt  }
0x7f: {  	_ =	shalt  }
0x80: {  	_ =	shalt  }
0x81: {  	_ =	shalt  }
0x82: {  	_ =	shalt  }
0x83: {  	_ =	shalt  }
0x84: {  	_ =	shalt  }
0x85: {  	_ =	shalt  }
0x86: {  	_ =	shalt  }
0x87: {  	_ =	shalt  }
.Lfunc_end0:
.L_simem_size_0:
called_computation_lowered:
.L_overlay_start_0:
0x88: {  	s2 =	sld [smem:$0x3FD9]  }
0x89: {  	s3 =	sld [smem:$0x3FFE];
	_ =	sdelay $0x1  }
0x8a: {  	s1 =	srdreg.scid  }
0x8b: {  	s0 =	sand.u32 $0x1, s1  }
0x8c: {  	s17 =	sshll.u32 s0, $0xA;
	s2 =	sadd.s32 s3, s2  }
0x8d: {  	s2 =	sadd.s32 s2, s17  }
0x8e: {  	[smem:$0x3FC4] =	sst s2  }
0x8f: {  	_ = 	snop  }
0x90: {  	s2 =	sld [smem:$0x3FD0];
	(tm) =	ssettm $0x1  }
0x91: {  	s18 =	sld [smem:$0x3FFB];
	_ =	sdelay $0x3  }
0x92: {  	_ =	strace s18  }
0x93: {  	s3 =	sld [smem:$0x3FFC];
	_ =	sdelay $0x3  }
0x94: {  	_ =	strace s3  }
0x95: {  	s3 =	sld [smem:$0x3FFD];
	_ =	sdelay $0x3  }
0x96: {  	_ =	strace s3  }
0x97: {  	_ =	strace $0x8FFFFFFF  }
0x98: {  	s19 =	sld [smem:$0x3FDB];
	_ =	sdelay $0x1  }
0x99: {  	s4 =	simm.s32 $_scs_section_size  }
0x9a: {  	s5 =	simm.s32 $_size__tile_overlayer_lowered;
	s6 =	simm.s32 $_tile_overlayer_lowered  }
0x9b: {  	s22 =	simm.s32 $0x1BFF;
	s21 =	sshll.u32 s6, $0x1;
	s3 =	sadd.s32 s4, s19  }
0x9c: {  	s7 =	simm.s32 $0x0;
	s20 =	sshll.u32 s5, $0x1;
	s5 =	sadd.s32 s21, s3  }
0x9d: {  	[timem:s7], [sflag:s22] =	dma.local [hbm:s5], s20  }
0x9e: {  	_ =	swait.ge [sflag:s22], s20  }
0x9f: {  	s4 =	ssub.s32 $0x0, s20;
	[sflag:s22] =	ssyncset.done $0x0  }
0xa0: {  	[sflag:s22] =	ssyncadd.s32 s4;
	_ =	sdelay $0x1  }
0xa1: {  	s23 =	simm.s32 $0x1B8B  }
0xa2: {  	_ =	swait.ge [sflag:s23], $0x1  }
0xa3: {  	[sflag:s23] =	ssyncset.done $0x0  }
0xa4: {  	s25 =	simm.s32 $0x1B8E;
	s24 =	sld [smem:$0x3FFE];
	[sflag:s23] =	ssyncadd.s32 $0xFFFFFFFF  }
0xa5: {  	s26 =	simm.s32 $execute0_lowered;
	[smem:$0x3FD2] =	sst s25  }
0xa6: {  	s5 =	sshll.u32 s26, $0x1;
	_ =	strace $0x80000046;
	[dreg:$0x1] =	wrdreg $0xFFFFFFFF  }
0xa7: {  	s28 =	simm.s32 $_size_execute0_lowered;
	s3 =	sadd.s32 s3, s5;
	[dreg:$0x0] =	wrdreg $0x0  }
0xa8: {  	s5 =	sshll.u32 s28, $0x1;
	[dreg:$0x2] =	wrdreg s3  }
0xa9: {  	[dreg:$0x3] =	wrdreg s5  }
0xaa: {  	[dreg:$0x4] =	wrdreg $0xC0  }
0xab: {  	_ =	task [dreg:s7], $0x5FFFF  }
0xac: {  	[dreg:$0x1] =	wrdreg $0xFFFFFFFF  }
0xad: {  	[dreg:$0x0] =	wrdreg $0x60  }
0xae: {  	[dreg:$0x2] =	wrdreg s2  }
0xaf: {  	[dreg:$0x3] =	wrdreg s24  }
0xb0: {  	[dreg:$0x4] =	wrdreg $0x9  }
0xb1: {  	_ =	task.clear_ibuf [dreg:s7], $0x5FFFF;
	_ =	strace $0x90000046  }
0xb2: {  	s29 =	simm.s32 $0x9;
	_ =	strace $0x80000048  }
0xb3: {  	_ =	swait.ge [sflag:s29], $0x1  }
0xb4: {  	[sflag:s29] =	ssyncadd.s32 $0xFFFFFFFF  }
0xb5: {  	_ =	strace $0x90000048  }
0xb6: {  	_ =	sfence  }
0xb7: {  	s30 =	sld [smem:$0x0];
	_ =	sdelay $0x2  }
0xb8: {  	s31 =	sshll.u32 s1, $0xD;
	s1 =	sshrl.u32 s1, $0x2  }
0xb9: {  	s3 =	sand.u32 $0x4000, s31;
	s1 =	sadd.s32 s1, s30  }
0xba: {  	s0 =	sor.u32 s3, s0;
	s1 =	sshll.u32 s1, $0x11  }
0xbb: {  	s0 =	sor.u32 s1, s0  }
0xbc: {  	s0 =	sadd.s32 $0x8F2B, s0  }
0xbd: {  	[sflag:s0] =	ssyncadd.remote.s32 $0x1  }
0xbe: {  	_ =	sfence.sel $0xFFFF  }
0xbf: {  	[dreg:$0x0] =	wrdreg $0xFFFFFFFF;
	(pc) =	sbr.abs _section_cstart, $3  }
0xc0: {  	[dreg:$0x1] =	wrdreg $0xFFFFFFFF  }
0xc1: {  	_ =	task.clear_ibuf [dreg:s7], $0x2FFFF;
	_ =	strace $0x9FFFFFFF  }
0xc2: {  	(tm) =	ssettm $0x7FFFFFFF  }
0xc3: {  	_ =	shalt  }
tec
execute0_lowered:
.L_overlay_start_1:
0x0: {  	(tag) =	ssettag $0x1  }
0x1: {  	s4 =	rddreg [dreg:$0x0]  }
0x2: {  	s5 =	rddreg [dreg:$0x1]  }
0x3: {  	s0 =	rddreg [dreg:$0x2]  }
0x4: {  	s2 =	simm.s32 $0x0;
	s3 =	srdreg.scid;
	s1 =	stileid.u32  }
0x5: {  	s10 =	simm.s32 $0x400;
	s11 =	simm.s32 $0x0;
	s6 =	sand.u32 $0x1, s3  }
0x6: {  	s29 =	sshrl.u32 s1, $0x2;
	s7 =	sshll.u32 s1, $0x8;
	[smem:$0x7FF] =	sst s2  }
0x7: {  	s3 =	sadd.s32 $0xB200, s5;
	s8 =	sshll.u32 s6, $0x7;
	s9 =	smul.u32 $0x13C00, s29  }
0x8: {  	s7 =	sand.u32 $0x300, s7;
	s30 =	smul.u32 $0x14000, s29;
	s6 =	ssub.s32 $0x2, s6  }
0x9: {  	_ =	strace $0x80000047;
	s7 =	sor.u32 s8, s7;
	s31 =	sshrl.u32 s6, $0x1  }
0xa: {  	s8 =	simm.s32 $0x1;
	s9 =	sor.u32 s9, s7;
	s7 =	sor.u32 s30, s7  }
0xb: {  	s6 =	ssub.s32 s6, s31;
	s9 =	sshrl.u32 s9, $0x3;
	s7 =	sshrl.u32 s7, $0x3  }
0xc: {  	s6 =	smax.u32 s6, $0x1;
	s5 =	sadd.s32 s9, s5;
	s4 =	sadd.s32 s4, s7  }
0xd: {  	v0 =	vimm.f32 $1.000000000e+00;
	s7 =	simm.s32 $0x2800;
	s9 =	simm.s32 $0x80;
	s5 =	sadd.s32 $0xB800, s5  }
.LBB2_1:
0xe: {  	[tilespmem:s7], [sflag:$0x1] =	stream.linear.gather [hbm4b:s3+s2], $0x2780, $0x38;
	[tilespmem:$0x4F80] =	vst v63  }
0xf: {  	_ =	swait.ge [sflag:s8], $0x2780  }
0x10: {  	[sflag:s8] =	ssyncset.done $0x0  }
0x11: {  	[sflag:s8] =	ssyncadd.s32 $0xFFFFD880  }
0x12: {  	[tilespmem:s2], [sflag:$0x1] =	stream.strided.gather [hbm4b:s4+s9], $0x2800, s10, s9, $0x38;
	[tilespmem:$0x4F80] =	vst v63  }
0x13: {  	_ =	swait.ge [sflag:s8], $0x2800  }
0x14: {  	[sflag:s8] =	ssyncset.done $0x0  }
0x15: {  	s13 =	simm.s32 $0x0;
	s12 =	simm.s32 $0x40;
	[sflag:s8] =	ssyncadd.s32 $0xFFFFD800  }
.LBB2_2:
0x16: {  	p0 =	sne.s32 s12, $0x9FC0;
	v1 =	vld [tilespmem:s13+$0x0];
	_ =	sdelay $0x3  }
.Ltmp0:
0x17: {  	(pc) =	sbr.rel @p0 .LBB2_2-.Ltmp0, $2  }
0x18: {  	_ =	sdelay $0x2  }
0x19: {  	s13 =	sshra.s32 s12, $0x2;
	s12 =	sadd.s32 $0x40, s12;
	[tilespmem:v1+s7+$0x0] =	vst.idx.add.f32.msk $0xffff, v0  }
0x1a: {  	v1 =	vld [tilespmem:s13+$0x0];
	_ =	sdelay $0x5  }
0x1b: {  	s11 =	sadd.s32 $0x1, s11  }
0x1c: {  	p0 =	sne.s32 s11, s6  }
.Ltmp1:
0x1d: {  	[tilespmem:v1+s7+$0x0] =	vst.idx.add.f32.msk $0xffff, v0;
	(pc) =	sbr.rel @p0 .LBB2_1-.Ltmp1, $4  }
0x1e: {  	[hbm4b:s5+s9] =	stream.strided.scatter [tilespmem:s7], [sflag:$0x1], $0x2780, s10, s9, $0x38;
	[tilespmem:$0x4F80] =	vst v63  }
0x1f: {  	_ =	swait.ge [sflag:s8], $0x2780  }
0x20: {  	[sflag:s8] =	ssyncset.done $0x0  }
0x21: {  	[sflag:s8] =	ssyncadd.s32 $0xFFFFD880  }
0x22: {  	_ =	sfence.sel $0x180000  }
0x23: {  	[bflag:$0x0] =	sbarrier.arrive $0xFFFF  }
0x24: {  	p0 =	sne.s32 s1, $0x0;
	_ =	strace $0x90000047  }
0x25: {  	s0 =	sadd.s32 @!p0 $0x100000, s0;
	[bflag:$0x2] =	sbarrier.arrive $0xFFFF  }
0x26: {  	[sflag:s0] =	ssyncadd.tile.s32 @!p0 $0x1;
	_ =	shalt  }
.Lfunc_end2:
_tile_overlayer_lowered:
.L_overlay_start_2:
0x27: {  	(tag) =	ssettag $0x2  }
0x28: {  	s0 =	rddreg [dreg:$0x0];
	s2 =	stileid.u32  }
0x29: {  	s1 =	rddreg [dreg:$0x1];
	p0 =	sne.s32 s2, $0x0  }
0x2a: {  	s3 =	rddreg [dreg:$0x2];
	[bflag:$0x3] =	sbarrier.arrive $0xFFFF;
	s2 =	simm.s32 @!p0 $0x1C01  }
0x2b: {  	[timem:s3], [sflag:s2] =	dma.local @!p0 [hbm:s0], s1  }
0x2c: {  	s0 =	simm.s32 @!p0 $0x1  }
0x2d: {  	_ =	swait.ge @!p0 [sflag:s0], s1  }
0x2e: {  	s1 =	ssub.s32 @!p0 $0x0, s1;
	[sflag:s0] =	ssyncset.done @!p0 $0x0  }
0x2f: {  	[sflag:s0] =	ssyncadd.s32 @!p0 s1  }
0x30: {  	[bflag:$0x3] =	sbarrier.arrive $0xFFFF  }
0x31: {  	_ =	shalt  }

</sc_bundles>
